<compile_context>
chip_gen: v7x
topology: tpu7x:2x2x1
jax: 0.10.2.dev20260603
libtpu: 0.0.44.dev20260713+nightly
codegen_flags: <defaults>
</compile_context>

<pallas_src>
import functools

import jax
import jax.numpy as jnp
from jax import lax
from jax.experimental import pallas as pl
from jax.experimental.pallas import tpu as pltpu
from jax.experimental.pallas import tpu_sc as plsc

N_NODES_C = 10000
D = 512
DEG = 16
N_META = 3
E = 512
B = 4096
A_DIM = 128

NC = 2
NS = 16
NW = NC * NS
BPW = B // NW


NB_W = 128


def _sc_gather_agg(nodes, x, nb_all):
    mesh = plsc.VectorSubcoreMesh(
        core_axis_name="c", subcore_axis_name="s", num_cores=NC, num_subcores=NS
    )

    @functools.partial(
        pl.kernel,
        out_type=[
            jax.ShapeDtypeStruct((B, D), jnp.float32),
            jax.ShapeDtypeStruct((N_META, B, D), jnp.float32),
        ],
        mesh=mesh,
        scratch_types=[
            pltpu.VMEM((BPW,), jnp.int32),
            pltpu.VMEM((BPW, NB_W), jnp.int32),
            pltpu.VMEM((BPW, D), jnp.float32),
            pltpu.VMEM((DEG, D), jnp.float32),
            pltpu.VMEM((DEG, D), jnp.float32),
            pltpu.SemaphoreType.DMA,
            pltpu.SemaphoreType.DMA,
            pltpu.SemaphoreType.DMA,
        ],
    )
    def sc_kernel(nodes_h, x_h, nb_h, self_o, agg_o,
                  idx_v, nb_v, buf, rows0, rows1, semi, sem0, sem1):
        wid = lax.axis_index("s") * NC + lax.axis_index("c")
        base = wid * BPW

        pltpu.sync_copy(nodes_h.at[pl.ds(base, BPW)], idx_v)
        pltpu.async_copy(nb_h.at[idx_v], nb_v, semi)
        pltpu.async_copy(x_h.at[idx_v], buf, sem0).wait()
        pltpu.sync_copy(buf, self_o.at[pl.ds(base, BPW)])
        pltpu.make_async_copy(nb_h.at[pl.ds(0, BPW)], nb_v, semi).wait()

        inv_deg = jnp.float32(1.0 / DEG)

        def reduce_rows(rows, n):
            def col_body(c, carry):
                sl = pl.ds(c * 16, 16)
                s = rows[0, sl]
                for r in range(1, DEG):
                    s = s + rows[r, sl]
                buf[n, sl] = s * inv_deg
                return carry
            lax.fori_loop(0, D // 16, col_body, 0)

        for m in range(N_META):
            co = m * DEG
            pltpu.async_copy(x_h.at[nb_v.at[0, pl.ds(co, DEG)]], rows0, sem0)

            def node_pair(i2, carry):
                n0i = 2 * i2
                n1i = n0i + 1
                pltpu.async_copy(x_h.at[nb_v.at[n1i, pl.ds(co, DEG)]], rows1, sem1)
                pltpu.make_async_copy(x_h.at[pl.ds(0, DEG)], rows0, sem0).wait()
                reduce_rows(rows0, n0i)

                @pl.when(n1i + 1 < BPW)
                def _():
                    pltpu.async_copy(
                        x_h.at[nb_v.at[n1i + 1, pl.ds(co, DEG)]], rows0, sem0)

                pltpu.make_async_copy(x_h.at[pl.ds(0, DEG)], rows1, sem1).wait()
                reduce_rows(rows1, n1i)
                return carry

            lax.fori_loop(0, BPW // 2, node_pair, 0)
            pltpu.sync_copy(buf, agg_o.at[m].at[pl.ds(base, BPW)])

    return sc_kernel(nodes, x, nb_all)


TB = 512
NT = B // TB


def _tc_encode(self_feat, agg, w_top, w_bot, w_att, b_att2, q_att2):

    def body(self_r, agg_r, wt_r, wb_r, wa_r, ba_r, qa_r, h_r, s_r):
        sf = self_r[...]
        lane = lax.broadcasted_iota(jnp.int32, (1, A_DIM), 1)
        s_vec = jnp.zeros((1, A_DIM), jnp.float32)
        for m in range(N_META):
            h = jnp.maximum(
                jnp.dot(sf, wt_r[m], preferred_element_type=jnp.float32)
                + jnp.dot(agg_r[m], wb_r[m], preferred_element_type=jnp.float32),
                0.0,
            )
            h_r[m] = h
            t = jnp.tanh(
                jnp.dot(h, wa_r[...], preferred_element_type=jnp.float32) + ba_r[...]
            )
            sm = jnp.sum(jnp.dot(t, qa_r[...], preferred_element_type=jnp.float32))
            s_vec = s_vec + jnp.where(lane == m, sm, 0.0)
        s_r[pl.ds(pl.program_id(0), 1), :] = s_vec

    return pl.pallas_call(
        body,
        grid=(NT,),
        in_specs=[
            pl.BlockSpec((TB, D), lambda i: (i, 0)),
            pl.BlockSpec((N_META, TB, D), lambda i: (0, i, 0)),
            pl.BlockSpec((N_META, D, E), lambda i: (0, 0, 0)),
            pl.BlockSpec((N_META, D, E), lambda i: (0, 0, 0)),
            pl.BlockSpec((E, A_DIM), lambda i: (0, 0)),
            pl.BlockSpec((1, A_DIM), lambda i: (0, 0)),
            pl.BlockSpec((A_DIM, 1), lambda i: (0, 0)),
        ],
        out_specs=[
            pl.BlockSpec((N_META, TB, E), lambda i: (0, i, 0)),
            pl.BlockSpec((NT, A_DIM), lambda i: (0, 0)),
        ],
        out_shape=[
            jax.ShapeDtypeStruct((N_META, B, E), jnp.float32),
            jax.ShapeDtypeStruct((NT, A_DIM), jnp.float32),
        ],
    )(self_feat, agg, w_top, w_bot, w_att, b_att2, q_att2)


def _tc_combine(s_part, h_all):

    def body(s_r, h_r, o_r):
        s = jnp.sum(s_r[...], axis=0, keepdims=True)
        lane = lax.broadcasted_iota(jnp.int32, (1, A_DIM), 1)
        valid = lane < N_META
        z = jnp.where(valid, s * jnp.float32(1.0 / B), -jnp.inf)
        z = z - jnp.max(z)
        ez = jnp.where(valid, jnp.exp(z), 0.0)
        beta = ez / jnp.sum(ez)
        acc = jnp.zeros_like(h_r[0])
        for m in range(N_META):
            bm = jnp.sum(jnp.where(lane == m, beta, 0.0))
            acc = acc + bm * h_r[m]
        o_r[...] = acc

    return pl.pallas_call(
        body,
        grid=(NT,),
        in_specs=[
            pl.BlockSpec((NT, A_DIM), lambda i: (0, 0)),
            pl.BlockSpec((N_META, TB, E), lambda i: (0, i, 0)),
        ],
        out_specs=pl.BlockSpec((TB, E), lambda i: (i, 0)),
        out_shape=jax.ShapeDtypeStruct((B, E), jnp.float32),
    )(s_part, h_all)


def kernel(nodes, x, neigh, W_homo, W_att, b_att, q_att):
    nodes = nodes.astype(jnp.int32)
    neigh = neigh.astype(jnp.int32)
    nb_all = jnp.transpose(neigh, (1, 0, 2)).reshape(N_NODES_C, N_META * DEG)
    nb_all = jnp.pad(nb_all, ((0, 0), (0, NB_W - N_META * DEG)))
    self_feat, agg = _sc_gather_agg(nodes, x, nb_all)
    w_top = W_homo[:, :D, :]
    w_bot = W_homo[:, D:, :]
    h_all, s_part = _tc_encode(
        self_feat, agg, w_top, w_bot, W_att,
        b_att.reshape(1, A_DIM), q_att.reshape(A_DIM, 1),
    )
    return _tc_combine(s_part, h_all)

# --- scband reference (transcript-rebuilt; emitter-appended) ---
"""Pipeline reference for scband-hahe-train-5909874999730 (READ-ONLY COPY).

The authoritative reference and input builder live on the scoring server;
editing this copy changes nothing except your own understanding.
"""

import jax, jax.numpy as jnp
import numpy as np

# HAHE: per-metapath homogeneous GraphSAGE-style encoder (mean neighbor aggregation +
# dense transform + ReLU), followed by a heterogeneous semantic-attention encoder that
# softmax-combines the meta-path embeddings. adj_lists_list is materialized as fixed-degree
# neighbor index tables neigh[meta_num, n_nodes, deg].

N_NODES = 10000
D_FEAT = 512
DEG = 16
META = 3
EMBED = 512
BATCH = 4096
ATT_DIM = 128

def setup_inputs(seed: int = 0) -> dict:
    key = jax.random.key(seed)
    ks = jax.random.split(key, 8)
    x = jax.random.normal(ks[0], (N_NODES, D_FEAT), dtype=jnp.float32)
    neigh = jax.random.randint(ks[1], (META, N_NODES, DEG), 0, N_NODES)
    nodes = jax.random.randint(ks[2], (BATCH,), 0, N_NODES)
    W_homo = jax.random.normal(ks[3], (META, 2 * D_FEAT, EMBED), dtype=jnp.float32) * (1.0 / np.sqrt(2 * D_FEAT))
    W_att = jax.random.normal(ks[4], (EMBED, ATT_DIM), dtype=jnp.float32) * (1.0 / np.sqrt(EMBED))
    b_att = jnp.zeros((ATT_DIM,), dtype=jnp.float32)
    q_att = jax.random.normal(ks[5], (ATT_DIM,), dtype=jnp.float32)
    return {"nodes": nodes, "x": x, "neigh": neigh, "W_homo": W_homo,
            "W_att": W_att, "b_att": b_att, "q_att": q_att}

def reference(nodes, x, neigh, W_homo, W_att, b_att, q_att):
    meta_num = neigh.shape[0]
    self_feat = jnp.take(x, nodes, axis=0)  # [B, d]
    homo_embedding_list = []
    for m in range(meta_num):
        nb_idx = jnp.take(neigh[m], nodes, axis=0)      # [B, deg] adjacency lookup per node
        nb_feat = jnp.take(x, nb_idx, axis=0)           # [B, deg, d] neighbor feature gather
        agg = jnp.mean(nb_feat, axis=1)                 # mean aggregator
        h = jnp.concatenate([self_feat, agg], axis=1) @ W_homo[m]
        homo_embedding_list.append(jax.nn.relu(h))      # [B, e]
    H = jnp.stack(homo_embedding_list, axis=0)          # [M, B, e]
    # heterogeneous encoder: semantic attention over meta-paths
    s = jnp.mean(jnp.tanh(H @ W_att + b_att) @ q_att, axis=1)  # [M]
    beta = jax.nn.softmax(s)
    embedding = jnp.einsum('m,mbe->be', beta, H)        # [B, e]
    return embedding

if __name__ == "__main__":
    import jax
    _d = setup_inputs()
    print(jax.jit(kernel)(*tuple(_d.values())))

</pallas_src>

<mosaic_0001>
#map = affine_map<(d0, d1) -> (0)>
#map1 = affine_map<(d0, d1) -> (0, 0)>
#map2 = affine_map<(d0, d1) -> (0, 0, 0)>
module attributes {stable_mosaic.version = 14 : i64} {
  func.func @sc_kernel(%arg0: i32, %arg1: i32, %arg2: memref<4096xi32, #tpu.memory_space<hbm>>, %arg3: memref<10000x512xf32, #tpu.memory_space<hbm>>, %arg4: memref<10000x128xi32, #tpu.memory_space<hbm>>, %arg5: memref<4096x512xf32, #tpu.memory_space<hbm>>, %arg6: memref<3x4096x512xf32, #tpu.memory_space<hbm>>, %arg7: memref<128xi32, #tpu.memory_space<vmem>>, %arg8: memref<128x128xi32, #tpu.memory_space<vmem>>, %arg9: memref<128x512xf32, #tpu.memory_space<vmem>>, %arg10: memref<16x512xf32, #tpu.memory_space<vmem>>, %arg11: memref<16x512xf32, #tpu.memory_space<vmem>>, %arg12: memref<!tpu.dma_semaphore, #tpu.memory_space<semaphore_mem>>, %arg13: memref<!tpu.dma_semaphore, #tpu.memory_space<semaphore_mem>>, %arg14: memref<!tpu.dma_semaphore, #tpu.memory_space<semaphore_mem>>) attributes {dimension_semantics = [#tpu.dimension_semantics<core_parallel>, #tpu.dimension_semantics<subcore_parallel>], iteration_bounds = array<i64: 2, 16>, scalar_prefetch = 0 : i64, scratch_operands = 8 : i64, tpu.core_type = #tpu.core_type<sc_vector_subcore>, window_params = [{transform_indices = #map}, {transform_indices = #map1}, {transform_indices = #map1}, {transform_indices = #map1}, {transform_indices = #map2}]} {
    %mul3A = arith.constant 2 : i32
    %mul3A_0 = arith.muli %arg1, %mul3A : i32
    %add3A = arith.addi %mul3A_0, %arg0 : i32
    %mul3A_1 = arith.constant 128 : i32
    %mul3A_2 = arith.muli %add3A, %mul3A_1 : i32
    "tpu.region"() ({
      %run_scoped3A_59 = tpu.sem_alloc : memref<!tpu.dma_semaphore, #tpu.memory_space<semaphore_mem>>
      %dma_start3A_60 = tpu.memref_slice %arg2[%mul3A_2] : memref<4096xi32, #tpu.memory_space<hbm>> -> memref<128xi32, #tpu.memory_space<hbm>>
      %dma_start3A_61 = tpu.memref_slice %arg2[%mul3A_2] : memref<4096xi32, #tpu.memory_space<hbm>> -> memref<128xi32, #tpu.memory_space<hbm>>
      tpu.enqueue_dma source(%dma_start3A_61 : memref<128xi32, #tpu.memory_space<hbm>>) target(%arg7 : memref<128xi32, #tpu.memory_space<vmem>>) target_semaphore(%run_scoped3A_59 : memref<!tpu.dma_semaphore, #tpu.memory_space<semaphore_mem>>)
      %dma_wait3A_62 = tpu.memref_slice %arg2[%mul3A_2] : memref<4096xi32, #tpu.memory_space<hbm>> -> memref<128xi32, #tpu.memory_space<hbm>>
      %dma_wait3A_63 = tpu.memref_slice %arg2[%mul3A_2] : memref<4096xi32, #tpu.memory_space<hbm>> -> memref<128xi32, #tpu.memory_space<hbm>>
      tpu.wait_dma2 semaphore(%run_scoped3A_59 : memref<!tpu.dma_semaphore, #tpu.memory_space<semaphore_mem>>) src(%dma_wait3A_63 : memref<128xi32, #tpu.memory_space<hbm>>) dst(%arg7 : memref<128xi32, #tpu.memory_space<vmem>>)
      tpu.yield
    }) : () -> ()
    %dma_start3A = arith.constant 0 : i32
    %dma_start3A_3 = arith.constant 0 : i32
    %dma_start3A_4 = tpu.memref_slice %arg4[%dma_start3A, %dma_start3A_3] : memref<10000x128xi32, #tpu.memory_space<hbm>> -> memref<10000x128xi32, #tpu.memory_space<hbm>>
    tpu.enqueue_indirect_dma source(%dma_start3A_4 : memref<10000x128xi32, #tpu.memory_space<hbm>>) target(%arg8 : memref<128x128xi32, #tpu.memory_space<vmem>>) offsets(%arg7 : memref<128xi32, #tpu.memory_space<vmem>>) semaphore(%arg12 : memref<!tpu.dma_semaphore, #tpu.memory_space<semaphore_mem>>)
    %dma_start3A_5 = arith.constant 0 : i32
    %dma_start3A_6 = arith.constant 0 : i32
    %dma_start3A_7 = tpu.memref_slice %arg3[%dma_start3A_5, %dma_start3A_6] : memref<10000x512xf32, #tpu.memory_space<hbm>> -> memref<10000x512xf32, #tpu.memory_space<hbm>>
    tpu.enqueue_indirect_dma source(%dma_start3A_7 : memref<10000x512xf32, #tpu.memory_space<hbm>>) target(%arg9 : memref<128x512xf32, #tpu.memory_space<vmem>>) offsets(%arg7 : memref<128xi32, #tpu.memory_space<vmem>>) semaphore(%arg13 : memref<!tpu.dma_semaphore, #tpu.memory_space<semaphore_mem>>)
    %dma_wait3A = arith.constant 0 : i32
    %dma_wait3A_8 = arith.constant 0 : i32
    %dma_wait3A_9 = tpu.memref_slice %arg3[%dma_wait3A, %dma_wait3A_8] : memref<10000x512xf32, #tpu.memory_space<hbm>> -> memref<10000x512xf32, #tpu.memory_space<hbm>>
    tpu.wait_indirect_dma semaphore(%arg13 : memref<!tpu.dma_semaphore, #tpu.memory_space<semaphore_mem>>) src(%dma_wait3A_9 : memref<10000x512xf32, #tpu.memory_space<hbm>>) dst(%arg9 : memref<128x512xf32, #tpu.memory_space<vmem>>)
    "tpu.region"() ({
      %run_scoped3A_59 = tpu.sem_alloc : memref<!tpu.dma_semaphore, #tpu.memory_space<semaphore_mem>>
      %dma_start3A_60 = arith.constant 0 : i32
      %dma_start3A_61 = tpu.memref_slice %arg5[%mul3A_2, %dma_start3A_60] : memref<4096x512xf32, #tpu.memory_space<hbm>> -> memref<128x512xf32, #tpu.memory_space<hbm>>
      %dma_start3A_62 = arith.constant 0 : i32
      %dma_start3A_63 = tpu.memref_slice %arg5[%mul3A_2, %dma_start3A_62] : memref<4096x512xf32, #tpu.memory_space<hbm>> -> memref<128x512xf32, #tpu.memory_space<hbm>>
      tpu.enqueue_dma source(%arg9 : memref<128x512xf32, #tpu.memory_space<vmem>>) target(%dma_start3A_63 : memref<128x512xf32, #tpu.memory_space<hbm>>) target_semaphore(%run_scoped3A_59 : memref<!tpu.dma_semaphore, #tpu.memory_space<semaphore_mem>>)
      %dma_wait3A_64 = arith.constant 0 : i32
      %dma_wait3A_65 = tpu.memref_slice %arg5[%mul3A_2, %dma_wait3A_64] : memref<4096x512xf32, #tpu.memory_space<hbm>> -> memref<128x512xf32, #tpu.memory_space<hbm>>
      %dma_wait3A_66 = arith.constant 0 : i32
      %dma_wait3A_67 = tpu.memref_slice %arg5[%mul3A_2, %dma_wait3A_66] : memref<4096x512xf32, #tpu.memory_space<hbm>> -> memref<128x512xf32, #tpu.memory_space<hbm>>
      tpu.wait_dma2 semaphore(%run_scoped3A_59 : memref<!tpu.dma_semaphore, #tpu.memory_space<semaphore_mem>>) src(%arg9 : memref<128x512xf32, #tpu.memory_space<vmem>>) dst(%dma_wait3A_67 : memref<128x512xf32, #tpu.memory_space<hbm>>)
      tpu.yield
    }) : () -> ()
    %dma_wait3A_10 = arith.constant 0 : i32
    %dma_wait3A_11 = arith.constant 0 : i32
    %dma_wait3A_12 = tpu.memref_slice %arg4[%dma_wait3A_10, %dma_wait3A_11] : memref<10000x128xi32, #tpu.memory_space<hbm>> -> memref<128x128xi32, #tpu.memory_space<hbm>>
    %dma_wait3A_13 = arith.constant 0 : i32
    %dma_wait3A_14 = arith.constant 0 : i32
    %dma_wait3A_15 = tpu.memref_slice %arg4[%dma_wait3A_13, %dma_wait3A_14] : memref<10000x128xi32, #tpu.memory_space<hbm>> -> memref<128x128xi32, #tpu.memory_space<hbm>>
    tpu.wait_dma2 semaphore(%arg12 : memref<!tpu.dma_semaphore, #tpu.memory_space<semaphore_mem>>) src(%dma_wait3A_15 : memref<128x128xi32, #tpu.memory_space<hbm>>) dst(%arg8 : memref<128x128xi32, #tpu.memory_space<vmem>>)
    %dma_start3A_16 = arith.constant 0 : i32
    %dma_start3A_17 = arith.constant 0 : i32
    %dma_start3A_18 = tpu.memref_slice %arg8[%dma_start3A_16, %dma_start3A_17] : memref<128x128xi32, #tpu.memory_space<vmem>> -> memref<1x16xi32, #tpu.memory_space<vmem>>
    %dma_start3A_19 = tpu.memref_squeeze %dma_start3A_18 : memref<1x16xi32, #tpu.memory_space<vmem>> -> memref<16xi32, #tpu.memory_space<vmem>>
    %dma_start3A_20 = arith.constant 0 : i32
    %dma_start3A_21 = arith.constant 0 : i32
    %dma_start3A_22 = tpu.memref_slice %arg3[%dma_start3A_20, %dma_start3A_21] : memref<10000x512xf32, #tpu.memory_space<hbm>> -> memref<10000x512xf32, #tpu.memory_space<hbm>>
    tpu.enqueue_indirect_dma source(%dma_start3A_22 : memref<10000x512xf32, #tpu.memory_space<hbm>>) target(%arg10 : memref<16x512xf32, #tpu.memory_space<vmem>>) offsets(%dma_start3A_19 : memref<16xi32, #tpu.memory_space<vmem>>) semaphore(%arg13 : memref<!tpu.dma_semaphore, #tpu.memory_space<semaphore_mem>>)
    %scan3A = arith.constant 0 : i32
    %scan3A_23 = arith.constant 6.250000e-02 : f32
    %scan3A_24 = arith.constant 0 : i32
    %scan3A_25 = arith.constant 64 : i32
    %scan3A_26 = arith.addi %scan3A_24, %scan3A_25 : i32
    %scan3A_27 = arith.constant 1 : i32
    scf.for %scan3A_59 = %scan3A_24 to %scan3A_26 step %scan3A_27  : i32 {
      %mul3A_60 = arith.constant 2 : i32
      %mul3A_61 = arith.muli %mul3A_60, %scan3A_59 : i32
      %add3A_62 = arith.constant 1 : i32
      %add3A_63 = arith.addi %mul3A_61, %add3A_62 : i32
      %dma_start3A_64 = arith.constant 0 : i32
      %dma_start3A_65 = tpu.memref_slice %arg8[%add3A_63, %dma_start3A_64] : memref<128x128xi32, #tpu.memory_space<vmem>> -> memref<1x16xi32, #tpu.memory_space<vmem>>
      %dma_start3A_66 = tpu.memref_squeeze %dma_start3A_65 : memref<1x16xi32, #tpu.memory_space<vmem>> -> memref<16xi32, #tpu.memory_space<vmem>>
      %dma_start3A_67 = arith.constant 0 : i32
      %dma_start3A_68 = arith.constant 0 : i32
      %dma_start3A_69 = tpu.memref_slice %arg3[%dma_start3A_67, %dma_start3A_68] : memref<10000x512xf32, #tpu.memory_space<hbm>> -> memref<10000x512xf32, #tpu.memory_space<hbm>>
      tpu.enqueue_indirect_dma source(%dma_start3A_69 : memref<10000x512xf32, #tpu.memory_space<hbm>>) target(%arg11 : memref<16x512xf32, #tpu.memory_space<vmem>>) offsets(%dma_start3A_66 : memref<16xi32, #tpu.memory_space<vmem>>) semaphore(%arg14 : memref<!tpu.dma_semaphore, #tpu.memory_space<semaphore_mem>>)
      %dma_wait3A_70 = arith.constant 0 : i32
      %dma_wait3A_71 = arith.constant 0 : i32
      %dma_wait3A_72 = tpu.memref_slice %arg3[%dma_wait3A_70, %dma_wait3A_71] : memref<10000x512xf32, #tpu.memory_space<hbm>> -> memref<16x512xf32, #tpu.memory_space<hbm>>
      %dma_wait3A_73 = arith.constant 0 : i32
      %dma_wait3A_74 = arith.constant 0 : i32
      %dma_wait3A_75 = tpu.memref_slice %arg3[%dma_wait3A_73, %dma_wait3A_74] : memref<10000x512xf32, #tpu.memory_space<hbm>> -> memref<16x512xf32, #tpu.memory_space<hbm>>
      tpu.wait_dma2 semaphore(%arg13 : memref<!tpu.dma_semaphore, #tpu.memory_space<semaphore_mem>>) src(%dma_wait3A_75 : memref<16x512xf32, #tpu.memory_space<hbm>>) dst(%arg10 : memref<16x512xf32, #tpu.memory_space<vmem>>)
      %scan3A_76 = arith.constant 0 : i32
      %scan3A_77 = arith.constant 0 : i32
      %scan3A_78 = arith.constant 32 : i32
      %scan3A_79 = arith.addi %scan3A_77, %scan3A_78 : i32
      %scan3A_80 = arith.constant 1 : i32
      scf.for %scan3A_98 = %scan3A_77 to %scan3A_79 step %scan3A_80  : i32 {
        %mul3A_99 = arith.constant 16 : i32
        %mul3A_100 = arith.muli %scan3A_98, %mul3A_99 : i32
        %get3A = arith.constant 0 : i32
        %get3A_101 = arith.index_cast %get3A : i32 to index
        %get3A_102 = arith.index_cast %mul3A_100 : i32 to index
        %get3A_103 = tpu.vector_load %arg10[%get3A_101, %get3A_102] {strides = array<i32>} : memref<16x512xf32, #tpu.memory_space<vmem>>, vector<1x16xf32>,
        %get3A_104 = vector.shape_cast %get3A_103 : vector<1x16xf32> to vector<16xf32>
        %get3A_105 = arith.constant 1 : i32
        %get3A_106 = arith.index_cast %get3A_105 : i32 to index
        %get3A_107 = arith.index_cast %mul3A_100 : i32 to index
        %get3A_108 = tpu.vector_load %arg10[%get3A_106, %get3A_107] {strides = array<i32>} : memref<16x512xf32, #tpu.memory_space<vmem>>, vector<1x16xf32>,
        %get3A_109 = vector.shape_cast %get3A_108 : vector<1x16xf32> to vector<16xf32>
        %add3A_110 = arith.addf %get3A_104, %get3A_109 : vector<16xf32>
        %get3A_111 = arith.constant 2 : i32
        %get3A_112 = arith.index_cast %get3A_111 : i32 to index
        %get3A_113 = arith.index_cast %mul3A_100 : i32 to index
        %get3A_114 = tpu.vector_load %arg10[%get3A_112, %get3A_113] {strides = array<i32>} : memref<16x512xf32, #tpu.memory_space<vmem>>, vector<1x16xf32>,
        %get3A_115 = vector.shape_cast %get3A_114 : vector<1x16xf32> to vector<16xf32>
        %add3A_116 = arith.addf %add3A_110, %get3A_115 : vector<16xf32>
        %get3A_117 = arith.constant 3 : i32
        %get3A_118 = arith.index_cast %get3A_117 : i32 to index
        %get3A_119 = arith.index_cast %mul3A_100 : i32 to index
        %get3A_120 = tpu.vector_load %arg10[%get3A_118, %get3A_119] {strides = array<i32>} : memref<16x512xf32, #tpu.memory_space<vmem>>, vector<1x16xf32>,
        %get3A_121 = vector.shape_cast %get3A_120 : vector<1x16xf32> to vector<16xf32>
        %add3A_122 = arith.addf %add3A_116, %get3A_121 : vector<16xf32>
        %get3A_123 = arith.constant 4 : i32
        %get3A_124 = arith.index_cast %get3A_123 : i32 to index
        %get3A_125 = arith.index_cast %mul3A_100 : i32 to index
        %get3A_126 = tpu.vector_load %arg10[%get3A_124, %get3A_125] {strides = array<i32>} : memref<16x512xf32, #tpu.memory_space<vmem>>, vector<1x16xf32>,
        %get3A_127 = vector.shape_cast %get3A_126 : vector<1x16xf32> to vector<16xf32>
        %add3A_128 = arith.addf %add3A_122, %get3A_127 : vector<16xf32>
        %get3A_129 = arith.constant 5 : i32
        %get3A_130 = arith.index_cast %get3A_129 : i32 to index
        %get3A_131 = arith.index_cast %mul3A_100 : i32 to index
        %get3A_132 = tpu.vector_load %arg10[%get3A_130, %get3A_131] {strides = array<i32>} : memref<16x512xf32, #tpu.memory_space<vmem>>, vector<1x16xf32>,
        %get3A_133 = vector.shape_cast %get3A_132 : vector<1x16xf32> to vector<16xf32>
        %add3A_134 = arith.addf %add3A_128, %get3A_133 : vector<16xf32>
        %get3A_135 = arith.constant 6 : i32
        %get3A_136 = arith.index_cast %get3A_135 : i32 to index
        %get3A_137 = arith.index_cast %mul3A_100 : i32 to index
        %get3A_138 = tpu.vector_load %arg10[%get3A_136, %get3A_137] {strides = array<i32>} : memref<16x512xf32, #tpu.memory_space<vmem>>, vector<1x16xf32>,
        %get3A_139 = vector.shape_cast %get3A_138 : vector<1x16xf32> to vector<16xf32>
        %add3A_140 = arith.addf %add3A_134, %get3A_139 : vector<16xf32>
        %get3A_141 = arith.constant 7 : i32
        %get3A_142 = arith.index_cast %get3A_141 : i32 to index
        %get3A_143 = arith.index_cast %mul3A_100 : i32 to index
        %get3A_144 = tpu.vector_load %arg10[%get3A_142, %get3A_143] {strides = array<i32>} : memref<16x512xf32, #tpu.memory_space<vmem>>, vector<1x16xf32>,
        %get3A_145 = vector.shape_cast %get3A_144 : vector<1x16xf32> to vector<16xf32>
        %add3A_146 = arith.addf %add3A_140, %get3A_145 : vector<16xf32>
        %get3A_147 = arith.constant 8 : i32
        %get3A_148 = arith.index_cast %get3A_147 : i32 to index
        %get3A_149 = arith.index_cast %mul3A_100 : i32 to index
        %get3A_150 = tpu.vector_load %arg10[%get3A_148, %get3A_149] {strides = array<i32>} : memref<16x512xf32, #tpu.memory_space<vmem>>, vector<1x16xf32>,
        %get3A_151 = vector.shape_cast %get3A_150 : vector<1x16xf32> to vector<16xf32>
        %add3A_152 = arith.addf %add3A_146, %get3A_151 : vector<16xf32>
        %get3A_153 = arith.constant 9 : i32
        %get3A_154 = arith.index_cast %get3A_153 : i32 to index
        %get3A_155 = arith.index_cast %mul3A_100 : i32 to index
        %get3A_156 = tpu.vector_load %arg10[%get3A_154, %get3A_155] {strides = array<i32>} : memref<16x512xf32, #tpu.memory_space<vmem>>, vector<1x16xf32>,
        %get3A_157 = vector.shape_cast %get3A_156 : vector<1x16xf32> to vector<16xf32>
        %add3A_158 = arith.addf %add3A_152, %get3A_157 : vector<16xf32>
        %get3A_159 = arith.constant 10 : i32
        %get3A_160 = arith.index_cast %get3A_159 : i32 to index
        %get3A_161 = arith.index_cast %mul3A_100 : i32 to index
        %get3A_162 = tpu.vector_load %arg10[%get3A_160, %get3A_161] {strides = array<i32>} : memref<16x512xf32, #tpu.memory_space<vmem>>, vector<1x16xf32>,
        %get3A_163 = vector.shape_cast %get3A_162 : vector<1x16xf32> to vector<16xf32>
        %add3A_164 = arith.addf %add3A_158, %get3A_163 : vector<16xf32>
        %get3A_165 = arith.constant 11 : i32
        %get3A_166 = arith.index_cast %get3A_165 : i32 to index
        %get3A_167 = arith.index_cast %mul3A_100 : i32 to index
        %get3A_168 = tpu.vector_load %arg10[%get3A_166, %get3A_167] {strides = array<i32>} : memref<16x512xf32, #tpu.memory_space<vmem>>, vector<1x16xf32>,
        %get3A_169 = vector.shape_cast %get3A_168 : vector<1x16xf32> to vector<16xf32>
        %add3A_170 = arith.addf %add3A_164, %get3A_169 : vector<16xf32>
        %get3A_171 = arith.constant 12 : i32
        %get3A_172 = arith.index_cast %get3A_171 : i32 to index
        %get3A_173 = arith.index_cast %mul3A_100 : i32 to index
        %get3A_174 = tpu.vector_load %arg10[%get3A_172, %get3A_173] {strides = array<i32>} : memref<16x512xf32, #tpu.memory_space<vmem>>, vector<1x16xf32>,
        %get3A_175 = vector.shape_cast %get3A_174 : vector<1x16xf32> to vector<16xf32>
        %add3A_176 = arith.addf %add3A_170, %get3A_175 : vector<16xf32>
        %get3A_177 = arith.constant 13 : i32
        %get3A_178 = arith.index_cast %get3A_177 : i32 to index
        %get3A_179 = arith.index_cast %mul3A_100 : i32 to index
        %get3A_180 = tpu.vector_load %arg10[%get3A_178, %get3A_179] {strides = array<i32>} : memref<16x512xf32, #tpu.memory_space<vmem>>, vector<1x16xf32>,
        %get3A_181 = vector.shape_cast %get3A_180 : vector<1x16xf32> to vector<16xf32>
        %add3A_182 = arith.addf %add3A_176, %get3A_181 : vector<16xf32>
        %get3A_183 = arith.constant 14 : i32
        %get3A_184 = arith.index_cast %get3A_183 : i32 to index
        %get3A_185 = arith.index_cast %mul3A_100 : i32 to index
        %get3A_186 = tpu.vector_load %arg10[%get3A_184, %get3A_185] {strides = array<i32>} : memref<16x512xf32, #tpu.memory_space<vmem>>, vector<1x16xf32>,
        %get3A_187 = vector.shape_cast %get3A_186 : vector<1x16xf32> to vector<16xf32>
        %add3A_188 = arith.addf %add3A_182, %get3A_187 : vector<16xf32>
        %get3A_189 = arith.constant 15 : i32
        %get3A_190 = arith.index_cast %get3A_189 : i32 to index
        %get3A_191 = arith.index_cast %mul3A_100 : i32 to index
        %get3A_192 = tpu.vector_load %arg10[%get3A_190, %get3A_191] {strides = array<i32>} : memref<16x512xf32, #tpu.memory_space<vmem>>, vector<1x16xf32>,
        %get3A_193 = vector.shape_cast %get3A_192 : vector<1x16xf32> to vector<16xf32>
        %add3A_194 = arith.addf %add3A_188, %get3A_193 : vector<16xf32>
        %mul3A_195 = vector.broadcast %scan3A_23 : f32 to vector<16xf32>
        %mul3A_196 = arith.mulf %add3A_194, %mul3A_195 : vector<16xf32>
        %swap3A = arith.index_cast %mul3A_61 : i32 to index
        %swap3A_197 = arith.index_cast %mul3A_100 : i32 to index
        %swap3A_198 = tpu.vector_load %arg9[%swap3A, %swap3A_197] {strides = array<i32>} : memref<128x512xf32, #tpu.memory_space<vmem>>, vector<1x16xf32>,
        %swap3A_199 = vector.shape_cast %swap3A_198 : vector<1x16xf32> to vector<16xf32>
        %swap3A_200 = vector.shape_cast %mul3A_196 : vector<16xf32> to vector<1x16xf32>
        tpu.vector_store %arg9[%swap3A, %swap3A_197], %swap3A_200 {strides = array<i32>} : memref<128x512xf32, #tpu.memory_space<vmem>>, vector<1x16xf32>,
      }
      %scan3A_81 = arith.constant 32 : i32
      %add3A_82 = arith.constant 1 : i32
      %add3A_83 = arith.addi %add3A_63, %add3A_82 : i32
      %lt3A = arith.constant 128 : i32
      %lt3A_84 = arith.cmpi slt, %add3A_83, %lt3A : i32
      %convert_element_type3A = arith.extui %lt3A_84 : i1 to i32
      %cond3A = arith.constant 0 : i32
      %cond3A_85 = arith.cmpi ne, %convert_element_type3A, %cond3A : i32
      scf.if %cond3A_85 {
        %add3A_98 = arith.constant 1 : i32
        %add3A_99 = arith.addi %add3A_63, %add3A_98 : i32
        %dma_start3A_100 = arith.constant 0 : i32
        %dma_start3A_101 = tpu.memref_slice %arg8[%add3A_99, %dma_start3A_100] : memref<128x128xi32, #tpu.memory_space<vmem>> -> memref<1x16xi32, #tpu.memory_space<vmem>>
        %dma_start3A_102 = tpu.memref_squeeze %dma_start3A_101 : memref<1x16xi32, #tpu.memory_space<vmem>> -> memref<16xi32, #tpu.memory_space<vmem>>
        %dma_start3A_103 = arith.constant 0 : i32
        %dma_start3A_104 = arith.constant 0 : i32
        %dma_start3A_105 = tpu.memref_slice %arg3[%dma_start3A_103, %dma_start3A_104] : memref<10000x512xf32, #tpu.memory_space<hbm>> -> memref<10000x512xf32, #tpu.memory_space<hbm>>
        tpu.enqueue_indirect_dma source(%dma_start3A_105 : memref<10000x512xf32, #tpu.memory_space<hbm>>) target(%arg10 : memref<16x512xf32, #tpu.memory_space<vmem>>) offsets(%dma_start3A_102 : memref<16xi32, #tpu.memory_space<vmem>>) semaphore(%arg13 : memref<!tpu.dma_semaphore, #tpu.memory_space<semaphore_mem>>)
      } else {
      }
      %dma_wait3A_86 = arith.constant 0 : i32
      %dma_wait3A_87 = arith.constant 0 : i32
      %dma_wait3A_88 = tpu.memref_slice %arg3[%dma_wait3A_86, %dma_wait3A_87] : memref<10000x512xf32, #tpu.memory_space<hbm>> -> memref<16x512xf32, #tpu.memory_space<hbm>>
      %dma_wait3A_89 = arith.constant 0 : i32
      %dma_wait3A_90 = arith.constant 0 : i32
      %dma_wait3A_91 = tpu.memref_slice %arg3[%dma_wait3A_89, %dma_wait3A_90] : memref<10000x512xf32, #tpu.memory_space<hbm>> -> memref<16x512xf32, #tpu.memory_space<hbm>>
      tpu.wait_dma2 semaphore(%arg14 : memref<!tpu.dma_semaphore, #tpu.memory_space<semaphore_mem>>) src(%dma_wait3A_91 : memref<16x512xf32, #tpu.memory_space<hbm>>) dst(%arg11 : memref<16x512xf32, #tpu.memory_space<vmem>>)
      %scan3A_92 = arith.constant 0 : i32
      %scan3A_93 = arith.constant 0 : i32
      %scan3A_94 = arith.constant 32 : i32
      %scan3A_95 = arith.addi %scan3A_93, %scan3A_94 : i32
      %scan3A_96 = arith.constant 1 : i32
      scf.for %scan3A_98 = %scan3A_93 to %scan3A_95 step %scan3A_96  : i32 {
        %mul3A_99 = arith.constant 16 : i32
        %mul3A_100 = arith.muli %scan3A_98, %mul3A_99 : i32
        %get3A = arith.constant 0 : i32
        %get3A_101 = arith.index_cast %get3A : i32 to index
        %get3A_102 = arith.index_cast %mul3A_100 : i32 to index
        %get3A_103 = tpu.vector_load %arg11[%get3A_101, %get3A_102] {strides = array<i32>} : memref<16x512xf32, #tpu.memory_space<vmem>>, vector<1x16xf32>,
        %get3A_104 = vector.shape_cast %get3A_103 : vector<1x16xf32> to vector<16xf32>
        %get3A_105 = arith.constant 1 : i32
        %get3A_106 = arith.index_cast %get3A_105 : i32 to index
        %get3A_107 = arith.index_cast %mul3A_100 : i32 to index
        %get3A_108 = tpu.vector_load %arg11[%get3A_106, %get3A_107] {strides = array<i32>} : memref<16x512xf32, #tpu.memory_space<vmem>>, vector<1x16xf32>,
        %get3A_109 = vector.shape_cast %get3A_108 : vector<1x16xf32> to vector<16xf32>
        %add3A_110 = arith.addf %get3A_104, %get3A_109 : vector<16xf32>
        %get3A_111 = arith.constant 2 : i32
        %get3A_112 = arith.index_cast %get3A_111 : i32 to index
        %get3A_113 = arith.index_cast %mul3A_100 : i32 to index
        %get3A_114 = tpu.vector_load %arg11[%get3A_112, %get3A_113] {strides = array<i32>} : memref<16x512xf32, #tpu.memory_space<vmem>>, vector<1x16xf32>,
        %get3A_115 = vector.shape_cast %get3A_114 : vector<1x16xf32> to vector<16xf32>
        %add3A_116 = arith.addf %add3A_110, %get3A_115 : vector<16xf32>
        %get3A_117 = arith.constant 3 : i32
        %get3A_118 = arith.index_cast %get3A_117 : i32 to index
        %get3A_119 = arith.index_cast %mul3A_100 : i32 to index
        %get3A_120 = tpu.vector_load %arg11[%get3A_118, %get3A_119] {strides = array<i32>} : memref<16x512xf32, #tpu.memory_space<vmem>>, vector<1x16xf32>,
        %get3A_121 = vector.shape_cast %get3A_120 : vector<1x16xf32> to vector<16xf32>
        %add3A_122 = arith.addf %add3A_116, %get3A_121 : vector<16xf32>
        %get3A_123 = arith.constant 4 : i32
        %get3A_124 = arith.index_cast %get3A_123 : i32 to index
        %get3A_125 = arith.index_cast %mul3A_100 : i32 to index
        %get3A_126 = tpu.vector_load %arg11[%get3A_124, %get3A_125] {strides = array<i32>} : memref<16x512xf32, #tpu.memory_space<vmem>>, vector<1x16xf32>,
        %get3A_127 = vector.shape_cast %get3A_126 : vector<1x16xf32> to vector<16xf32>
        %add3A_128 = arith.addf %add3A_122, %get3A_127 : vector<16xf32>
        %get3A_129 = arith.constant 5 : i32
        %get3A_130 = arith.index_cast %get3A_129 : i32 to index
        %get3A_131 = arith.index_cast %mul3A_100 : i32 to index
        %get3A_132 = tpu.vector_load %arg11[%get3A_130, %get3A_131] {strides = array<i32>} : memref<16x512xf32, #tpu.memory_space<vmem>>, vector<1x16xf32>,
        %get3A_133 = vector.shape_cast %get3A_132 : vector<1x16xf32> to vector<16xf32>
        %add3A_134 = arith.addf %add3A_128, %get3A_133 : vector<16xf32>
        %get3A_135 = arith.constant 6 : i32
        %get3A_136 = arith.index_cast %get3A_135 : i32 to index
        %get3A_137 = arith.index_cast %mul3A_100 : i32 to index
        %get3A_138 = tpu.vector_load %arg11[%get3A_136, %get3A_137] {strides = array<i32>} : memref<16x512xf32, #tpu.memory_space<vmem>>, vector<1x16xf32>,
        %get3A_139 = vector.shape_cast %get3A_138 : vector<1x16xf32> to vector<16xf32>
        %add3A_140 = arith.addf %add3A_134, %get3A_139 : vector<16xf32>
        %get3A_141 = arith.constant 7 : i32
        %get3A_142 = arith.index_cast %get3A_141 : i32 to index
        %get3A_143 = arith.index_cast %mul3A_100 : i32 to index
        %get3A_144 = tpu.vector_load %arg11[%get3A_142, %get3A_143] {strides = array<i32>} : memref<16x512xf32, #tpu.memory_space<vmem>>, vector<1x16xf32>,
        %get3A_145 = vector.shape_cast %get3A_144 : vector<1x16xf32> to vector<16xf32>
        %add3A_146 = arith.addf %add3A_140, %get3A_145 : vector<16xf32>
        %get3A_147 = arith.constant 8 : i32
        %get3A_148 = arith.index_cast %get3A_147 : i32 to index
        %get3A_149 = arith.index_cast %mul3A_100 : i32 to index
        %get3A_150 = tpu.vector_load %arg11[%get3A_148, %get3A_149] {strides = array<i32>} : memref<16x512xf32, #tpu.memory_space<vmem>>, vector<1x16xf32>,
        %get3A_151 = vector.shape_cast %get3A_150 : vector<1x16xf32> to vector<16xf32>
        %add3A_152 = arith.addf %add3A_146, %get3A_151 : vector<16xf32>
        %get3A_153 = arith.constant 9 : i32
        %get3A_154 = arith.index_cast %get3A_153 : i32 to index
        %get3A_155 = arith.index_cast %mul3A_100 : i32 to index
        %get3A_156 = tpu.vector_load %arg11[%get3A_154, %get3A_155] {strides = array<i32>} : memref<16x512xf32, #tpu.memory_space<vmem>>, vector<1x16xf32>,
        %get3A_157 = vector.shape_cast %get3A_156 : vector<1x16xf32> to vector<16xf32>
        %add3A_158 = arith.addf %add3A_152, %get3A_157 : vector<16xf32>
        %get3A_159 = arith.constant 10 : i32
        %get3A_160 = arith.index_cast %get3A_159 : i32 to index
        %get3A_161 = arith.index_cast %mul3A_100 : i32 to index
        %get3A_162 = tpu.vector_load %arg11[%get3A_160, %get3A_161] {strides = array<i32>} : memref<16x512xf32, #tpu.memory_space<vmem>>, vector<1x16xf32>,
        %get3A_163 = vector.shape_cast %get3A_162 : vector<1x16xf32> to vector<16xf32>
        %add3A_164 = arith.addf %add3A_158, %get3A_163 : vector<16xf32>
        %get3A_165 = arith.constant 11 : i32
        %get3A_166 = arith.index_cast %get3A_165 : i32 to index
        %get3A_167 = arith.index_cast %mul3A_100 : i32 to index
        %get3A_168 = tpu.vector_load %arg11[%get3A_166, %get3A_167] {strides = array<i32>} : memref<16x512xf32, #tpu.memory_space<vmem>>, vector<1x16xf32>,
        %get3A_169 = vector.shape_cast %get3A_168 : vector<1x16xf32> to vector<16xf32>
        %add3A_170 = arith.addf %add3A_164, %get3A_169 : vector<16xf32>
        %get3A_171 = arith.constant 12 : i32
        %get3A_172 = arith.index_cast %get3A_171 : i32 to index
        %get3A_173 = arith.index_cast %mul3A_100 : i32 to index
        %get3A_174 = tpu.vector_load %arg11[%get3A_172, %get3A_173] {strides = array<i32>} : memref<16x512xf32, #tpu.memory_space<vmem>>, vector<1x16xf32>,
        %get3A_175 = vector.shape_cast %get3A_174 : vector<1x16xf32> to vector<16xf32>
        %add3A_176 = arith.addf %add3A_170, %get3A_175 : vector<16xf32>
        %get3A_177 = arith.constant 13 : i32
        %get3A_178 = arith.index_cast %get3A_177 : i32 to index
        %get3A_179 = arith.index_cast %mul3A_100 : i32 to index
        %get3A_180 = tpu.vector_load %arg11[%get3A_178, %get3A_179] {strides = array<i32>} : memref<16x512xf32, #tpu.memory_space<vmem>>, vector<1x16xf32>,
        %get3A_181 = vector.shape_cast %get3A_180 : vector<1x16xf32> to vector<16xf32>
        %add3A_182 = arith.addf %add3A_176, %get3A_181 : vector<16xf32>
        %get3A_183 = arith.constant 14 : i32
        %get3A_184 = arith.index_cast %get3A_183 : i32 to index
        %get3A_185 = arith.index_cast %mul3A_100 : i32 to index
        %get3A_186 = tpu.vector_load %arg11[%get3A_184, %get3A_185] {strides = array<i32>} : memref<16x512xf32, #tpu.memory_space<vmem>>, vector<1x16xf32>,
        %get3A_187 = vector.shape_cast %get3A_186 : vector<1x16xf32> to vector<16xf32>
        %add3A_188 = arith.addf %add3A_182, %get3A_187 : vector<16xf32>
        %get3A_189 = arith.constant 15 : i32
        %get3A_190 = arith.index_cast %get3A_189 : i32 to index
        %get3A_191 = arith.index_cast %mul3A_100 : i32 to index
        %get3A_192 = tpu.vector_load %arg11[%get3A_190, %get3A_191] {strides = array<i32>} : memref<16x512xf32, #tpu.memory_space<vmem>>, vector<1x16xf32>,
        %get3A_193 = vector.shape_cast %get3A_192 : vector<1x16xf32> to vector<16xf32>
        %add3A_194 = arith.addf %add3A_188, %get3A_193 : vector<16xf32>
        %mul3A_195 = vector.broadcast %scan3A_23 : f32 to vector<16xf32>
        %mul3A_196 = arith.mulf %add3A_194, %mul3A_195 : vector<16xf32>
        %swap3A = arith.index_cast %add3A_63 : i32 to index
        %swap3A_197 = arith.index_cast %mul3A_100 : i32 to index
        %swap3A_198 = tpu.vector_load %arg9[%swap3A, %swap3A_197] {strides = array<i32>} : memref<128x512xf32, #tpu.memory_space<vmem>>, vector<1x16xf32>,
        %swap3A_199 = vector.shape_cast %swap3A_198 : vector<1x16xf32> to vector<16xf32>
        %swap3A_200 = vector.shape_cast %mul3A_196 : vector<16xf32> to vector<1x16xf32>
        tpu.vector_store %arg9[%swap3A, %swap3A_197], %swap3A_200 {strides = array<i32>} : memref<128x512xf32, #tpu.memory_space<vmem>>, vector<1x16xf32>,
      }
      %scan3A_97 = arith.constant 32 : i32
    }
    %scan3A_28 = arith.constant 64 : i32
    %run_scoped3A = arith.constant 0 : i32
    "tpu.region"() ({
      %run_scoped3A_59 = tpu.sem_alloc : memref<!tpu.dma_semaphore, #tpu.memory_space<semaphore_mem>>
      %dma_start3A_60 = arith.constant 0 : i32
      %dma_start3A_61 = arith.constant 0 : i32
      %dma_start3A_62 = tpu.memref_slice %arg6[%run_scoped3A, %dma_start3A_60, %dma_start3A_61] : memref<3x4096x512xf32, #tpu.memory_space<hbm>> -> memref<1x4096x512xf32, #tpu.memory_space<hbm>>
      %dma_start3A_63 = tpu.memref_squeeze %dma_start3A_62 : memref<1x4096x512xf32, #tpu.memory_space<hbm>> -> memref<4096x512xf32, #tpu.memory_space<hbm>>
      %dma_start3A_64 = arith.constant 0 : i32
      %dma_start3A_65 = tpu.memref_slice %dma_start3A_63[%mul3A_2, %dma_start3A_64] : memref<4096x512xf32, #tpu.memory_space<hbm>> -> memref<128x512xf32, #tpu.memory_space<hbm>>
      %dma_start3A_66 = arith.constant 0 : i32
      %dma_start3A_67 = arith.constant 0 : i32
      %dma_start3A_68 = tpu.memref_slice %arg6[%run_scoped3A, %dma_start3A_66, %dma_start3A_67] : memref<3x4096x512xf32, #tpu.memory_space<hbm>> -> memref<1x4096x512xf32, #tpu.memory_space<hbm>>
      %dma_start3A_69 = tpu.memref_squeeze %dma_start3A_68 : memref<1x4096x512xf32, #tpu.memory_space<hbm>> -> memref<4096x512xf32, #tpu.memory_space<hbm>>
      %dma_start3A_70 = arith.constant 0 : i32
      %dma_start3A_71 = tpu.memref_slice %dma_start3A_69[%mul3A_2, %dma_start3A_70] : memref<4096x512xf32, #tpu.memory_space<hbm>> -> memref<128x512xf32, #tpu.memory_space<hbm>>
      tpu.enqueue_dma source(%arg9 : memref<128x512xf32, #tpu.memory_space<vmem>>) target(%dma_start3A_71 : memref<128x512xf32, #tpu.memory_space<hbm>>) target_semaphore(%run_scoped3A_59 : memref<!tpu.dma_semaphore, #tpu.memory_space<semaphore_mem>>)
      %dma_wait3A_72 = arith.constant 0 : i32
      %dma_wait3A_73 = arith.constant 0 : i32
      %dma_wait3A_74 = tpu.memref_slice %arg6[%run_scoped3A, %dma_wait3A_72, %dma_wait3A_73] : memref<3x4096x512xf32, #tpu.memory_space<hbm>> -> memref<1x4096x512xf32, #tpu.memory_space<hbm>>
      %dma_wait3A_75 = tpu.memref_squeeze %dma_wait3A_74 : memref<1x4096x512xf32, #tpu.memory_space<hbm>> -> memref<4096x512xf32, #tpu.memory_space<hbm>>
      %dma_wait3A_76 = arith.constant 0 : i32
      %dma_wait3A_77 = tpu.memref_slice %dma_wait3A_75[%mul3A_2, %dma_wait3A_76] : memref<4096x512xf32, #tpu.memory_space<hbm>> -> memref<128x512xf32, #tpu.memory_space<hbm>>
      %dma_wait3A_78 = arith.constant 0 : i32
      %dma_wait3A_79 = arith.constant 0 : i32
      %dma_wait3A_80 = tpu.memref_slice %arg6[%run_scoped3A, %dma_wait3A_78, %dma_wait3A_79] : memref<3x4096x512xf32, #tpu.memory_space<hbm>> -> memref<1x4096x512xf32, #tpu.memory_space<hbm>>
      %dma_wait3A_81 = tpu.memref_squeeze %dma_wait3A_80 : memref<1x4096x512xf32, #tpu.memory_space<hbm>> -> memref<4096x512xf32, #tpu.memory_space<hbm>>
      %dma_wait3A_82 = arith.constant 0 : i32
      %dma_wait3A_83 = tpu.memref_slice %dma_wait3A_81[%mul3A_2, %dma_wait3A_82] : memref<4096x512xf32, #tpu.memory_space<hbm>> -> memref<128x512xf32, #tpu.memory_space<hbm>>
      tpu.wait_dma2 semaphore(%run_scoped3A_59 : memref<!tpu.dma_semaphore, #tpu.memory_space<semaphore_mem>>) src(%arg9 : memref<128x512xf32, #tpu.memory_space<vmem>>) dst(%dma_wait3A_83 : memref<128x512xf32, #tpu.memory_space<hbm>>)
      tpu.yield
    }) : () -> ()
    %dma_start3A_29 = arith.constant 0 : i32
    %dma_start3A_30 = arith.constant 16 : i32
    %dma_start3A_31 = tpu.memref_slice %arg8[%dma_start3A_29, %dma_start3A_30] : memref<128x128xi32, #tpu.memory_space<vmem>> -> memref<1x16xi32, #tpu.memory_space<vmem>>
    %dma_start3A_32 = tpu.memref_squeeze %dma_start3A_31 : memref<1x16xi32, #tpu.memory_space<vmem>> -> memref<16xi32, #tpu.memory_space<vmem>>
    %dma_start3A_33 = arith.constant 0 : i32
    %dma_start3A_34 = arith.constant 0 : i32
    %dma_start3A_35 = tpu.memref_slice %arg3[%dma_start3A_33, %dma_start3A_34] : memref<10000x512xf32, #tpu.memory_space<hbm>> -> memref<10000x512xf32, #tpu.memory_space<hbm>>
    tpu.enqueue_indirect_dma source(%dma_start3A_35 : memref<10000x512xf32, #tpu.memory_space<hbm>>) target(%arg10 : memref<16x512xf32, #tpu.memory_space<vmem>>) offsets(%dma_start3A_32 : memref<16xi32, #tpu.memory_space<vmem>>) semaphore(%arg13 : memref<!tpu.dma_semaphore, #tpu.memory_space<semaphore_mem>>)
    %scan3A_36 = arith.constant 0 : i32
    %scan3A_37 = arith.constant 6.250000e-02 : f32
    %scan3A_38 = arith.constant 0 : i32
    %scan3A_39 = arith.constant 64 : i32
    %scan3A_40 = arith.addi %scan3A_38, %scan3A_39 : i32
    %scan3A_41 = arith.constant 1 : i32
    scf.for %scan3A_59 = %scan3A_38 to %scan3A_40 step %scan3A_41  : i32 {
      %mul3A_60 = arith.constant 2 : i32
      %mul3A_61 = arith.muli %mul3A_60, %scan3A_59 : i32
      %add3A_62 = arith.constant 1 : i32
      %add3A_63 = arith.addi %mul3A_61, %add3A_62 : i32
      %dma_start3A_64 = arith.constant 16 : i32
      %dma_start3A_65 = tpu.memref_slice %arg8[%add3A_63, %dma_start3A_64] : memref<128x128xi32, #tpu.memory_space<vmem>> -> memref<1x16xi32, #tpu.memory_space<vmem>>
      %dma_start3A_66 = tpu.memref_squeeze %dma_start3A_65 : memref<1x16xi32, #tpu.memory_space<vmem>> -> memref<16xi32, #tpu.memory_space<vmem>>
      %dma_start3A_67 = arith.constant 0 : i32
      %dma_start3A_68 = arith.constant 0 : i32
      %dma_start3A_69 = tpu.memref_slice %arg3[%dma_start3A_67, %dma_start3A_68] : memref<10000x512xf32, #tpu.memory_space<hbm>> -> memref<10000x512xf32, #tpu.memory_space<hbm>>
      tpu.enqueue_indirect_dma source(%dma_start3A_69 : memref<10000x512xf32, #tpu.memory_space<hbm>>) target(%arg11 : memref<16x512xf32, #tpu.memory_space<vmem>>) offsets(%dma_start3A_66 : memref<16xi32, #tpu.memory_space<vmem>>) semaphore(%arg14 : memref<!tpu.dma_semaphore, #tpu.memory_space<semaphore_mem>>)
      %dma_wait3A_70 = arith.constant 0 : i32
      %dma_wait3A_71 = arith.constant 0 : i32
      %dma_wait3A_72 = tpu.memref_slice %arg3[%dma_wait3A_70, %dma_wait3A_71] : memref<10000x512xf32, #tpu.memory_space<hbm>> -> memref<16x512xf32, #tpu.memory_space<hbm>>
      %dma_wait3A_73 = arith.constant 0 : i32
      %dma_wait3A_74 = arith.constant 0 : i32
      %dma_wait3A_75 = tpu.memref_slice %arg3[%dma_wait3A_73, %dma_wait3A_74] : memref<10000x512xf32, #tpu.memory_space<hbm>> -> memref<16x512xf32, #tpu.memory_space<hbm>>
      tpu.wait_dma2 semaphore(%arg13 : memref<!tpu.dma_semaphore, #tpu.memory_space<semaphore_mem>>) src(%dma_wait3A_75 : memref<16x512xf32, #tpu.memory_space<hbm>>) dst(%arg10 : memref<16x512xf32, #tpu.memory_space<vmem>>)
      %scan3A_76 = arith.constant 0 : i32
      %scan3A_77 = arith.constant 0 : i32
      %scan3A_78 = arith.constant 32 : i32
      %scan3A_79 = arith.addi %scan3A_77, %scan3A_78 : i32
      %scan3A_80 = arith.constant 1 : i32
      scf.for %scan3A_98 = %scan3A_77 to %scan3A_79 step %scan3A_80  : i32 {
        %mul3A_99 = arith.constant 16 : i32
        %mul3A_100 = arith.muli %scan3A_98, %mul3A_99 : i32
        %get3A = arith.constant 0 : i32
        %get3A_101 = arith.index_cast %get3A : i32 to index
        %get3A_102 = arith.index_cast %mul3A_100 : i32 to index
        %get3A_103 = tpu.vector_load %arg10[%get3A_101, %get3A_102] {strides = array<i32>} : memref<16x512xf32, #tpu.memory_space<vmem>>, vector<1x16xf32>,
        %get3A_104 = vector.shape_cast %get3A_103 : vector<1x16xf32> to vector<16xf32>
        %get3A_105 = arith.constant 1 : i32
        %get3A_106 = arith.index_cast %get3A_105 : i32 to index
        %get3A_107 = arith.index_cast %mul3A_100 : i32 to index
        %get3A_108 = tpu.vector_load %arg10[%get3A_106, %get3A_107] {strides = array<i32>} : memref<16x512xf32, #tpu.memory_space<vmem>>, vector<1x16xf32>,
        %get3A_109 = vector.shape_cast %get3A_108 : vector<1x16xf32> to vector<16xf32>
        %add3A_110 = arith.addf %get3A_104, %get3A_109 : vector<16xf32>
        %get3A_111 = arith.constant 2 : i32
        %get3A_112 = arith.index_cast %get3A_111 : i32 to index
        %get3A_113 = arith.index_cast %mul3A_100 : i32 to index
        %get3A_114 = tpu.vector_load %arg10[%get3A_112, %get3A_113] {strides = array<i32>} : memref<16x512xf32, #tpu.memory_space<vmem>>, vector<1x16xf32>,
        %get3A_115 = vector.shape_cast %get3A_114 : vector<1x16xf32> to vector<16xf32>
        %add3A_116 = arith.addf %add3A_110, %get3A_115 : vector<16xf32>
        %get3A_117 = arith.constant 3 : i32
        %get3A_118 = arith.index_cast %get3A_117 : i32 to index
        %get3A_119 = arith.index_cast %mul3A_100 : i32 to index
        %get3A_120 = tpu.vector_load %arg10[%get3A_118, %get3A_119] {strides = array<i32>} : memref<16x512xf32, #tpu.memory_space<vmem>>, vector<1x16xf32>,
        %get3A_121 = vector.shape_cast %get3A_120 : vector<1x16xf32> to vector<16xf32>
        %add3A_122 = arith.addf %add3A_116, %get3A_121 : vector<16xf32>
        %get3A_123 = arith.constant 4 : i32
        %get3A_124 = arith.index_cast %get3A_123 : i32 to index
        %get3A_125 = arith.index_cast %mul3A_100 : i32 to index
        %get3A_126 = tpu.vector_load %arg10[%get3A_124, %get3A_125] {strides = array<i32>} : memref<16x512xf32, #tpu.memory_space<vmem>>, vector<1x16xf32>,
        %get3A_127 = vector.shape_cast %get3A_126 : vector<1x16xf32> to vector<16xf32>
        %add3A_128 = arith.addf %add3A_122, %get3A_127 : vector<16xf32>
        %get3A_129 = arith.constant 5 : i32
        %get3A_130 = arith.index_cast %get3A_129 : i32 to index
        %get3A_131 = arith.index_cast %mul3A_100 : i32 to index
        %get3A_132 = tpu.vector_load %arg10[%get3A_130, %get3A_131] {strides = array<i32>} : memref<16x512xf32, #tpu.memory_space<vmem>>, vector<1x16xf32>,
        %get3A_133 = vector.shape_cast %get3A_132 : vector<1x16xf32> to vector<16xf32>
        %add3A_134 = arith.addf %add3A_128, %get3A_133 : vector<16xf32>
        %get3A_135 = arith.constant 6 : i32
        %get3A_136 = arith.index_cast %get3A_135 : i32 to index
        %get3A_137 = arith.index_cast %mul3A_100 : i32 to index
        %get3A_138 = tpu.vector_load %arg10[%get3A_136, %get3A_137] {strides = array<i32>} : memref<16x512xf32, #tpu.memory_space<vmem>>, vector<1x16xf32>,
        %get3A_139 = vector.shape_cast %get3A_138 : vector<1x16xf32> to vector<16xf32>
        %add3A_140 = arith.addf %add3A_134, %get3A_139 : vector<16xf32>
        %get3A_141 = arith.constant 7 : i32
        %get3A_142 = arith.index_cast %get3A_141 : i32 to index
        %get3A_143 = arith.index_cast %mul3A_100 : i32 to index
        %get3A_144 = tpu.vector_load %arg10[%get3A_142, %get3A_143] {strides = array<i32>} : memref<16x512xf32, #tpu.memory_space<vmem>>, vector<1x16xf32>,
        %get3A_145 = vector.shape_cast %get3A_144 : vector<1x16xf32> to vector<16xf32>
        %add3A_146 = arith.addf %add3A_140, %get3A_145 : vector<16xf32>
        %get3A_147 = arith.constant 8 : i32
        %get3A_148 = arith.index_cast %get3A_147 : i32 to index
        %get3A_149 = arith.index_cast %mul3A_100 : i32 to index
        %get3A_150 = tpu.vector_load %arg10[%get3A_148, %get3A_149] {strides = array<i32>} : memref<16x512xf32, #tpu.memory_space<vmem>>, vector<1x16xf32>,
        %get3A_151 = vector.shape_cast %get3A_150 : vector<1x16xf32> to vector<16xf32>
        %add3A_152 = arith.addf %add3A_146, %get3A_151 : vector<16xf32>
        %get3A_153 = arith.constant 9 : i32
        %get3A_154 = arith.index_cast %get3A_153 : i32 to index
        %get3A_155 = arith.index_cast %mul3A_100 : i32 to index
        %get3A_156 = tpu.vector_load %arg10[%get3A_154, %get3A_155] {strides = array<i32>} : memref<16x512xf32, #tpu.memory_space<vmem>>, vector<1x16xf32>,
        %get3A_157 = vector.shape_cast %get3A_156 : vector<1x16xf32> to vector<16xf32>
        %add3A_158 = arith.addf %add3A_152, %get3A_157 : vector<16xf32>
        %get3A_159 = arith.constant 10 : i32
        %get3A_160 = arith.index_cast %get3A_159 : i32 to index
        %get3A_161 = arith.index_cast %mul3A_100 : i32 to index
        %get3A_162 = tpu.vector_load %arg10[%get3A_160, %get3A_161] {strides = array<i32>} : memref<16x512xf32, #tpu.memory_space<vmem>>, vector<1x16xf32>,
        %get3A_163 = vector.shape_cast %get3A_162 : vector<1x16xf32> to vector<16xf32>
        %add3A_164 = arith.addf %add3A_158, %get3A_163 : vector<16xf32>
        %get3A_165 = arith.constant 11 : i32
        %get3A_166 = arith.index_cast %get3A_165 : i32 to index
        %get3A_167 = arith.index_cast %mul3A_100 : i32 to index
        %get3A_168 = tpu.vector_load %arg10[%get3A_166, %get3A_167] {strides = array<i32>} : memref<16x512xf32, #tpu.memory_space<vmem>>, vector<1x16xf32>,
        %get3A_169 = vector.shape_cast %get3A_168 : vector<1x16xf32> to vector<16xf32>
        %add3A_170 = arith.addf %add3A_164, %get3A_169 : vector<16xf32>
        %get3A_171 = arith.constant 12 : i32
        %get3A_172 = arith.index_cast %get3A_171 : i32 to index
        %get3A_173 = arith.index_cast %mul3A_100 : i32 to index
        %get3A_174 = tpu.vector_load %arg10[%get3A_172, %get3A_173] {strides = array<i32>} : memref<16x512xf32, #tpu.memory_space<vmem>>, vector<1x16xf32>,
        %get3A_175 = vector.shape_cast %get3A_174 : vector<1x16xf32> to vector<16xf32>
        %add3A_176 = arith.addf %add3A_170, %get3A_175 : vector<16xf32>
        %get3A_177 = arith.constant 13 : i32
        %get3A_178 = arith.index_cast %get3A_177 : i32 to index
        %get3A_179 = arith.index_cast %mul3A_100 : i32 to index
        %get3A_180 = tpu.vector_load %arg10[%get3A_178, %get3A_179] {strides = array<i32>} : memref<16x512xf32, #tpu.memory_space<vmem>>, vector<1x16xf32>,
        %get3A_181 = vector.shape_cast %get3A_180 : vector<1x16xf32> to vector<16xf32>
        %add3A_182 = arith.addf %add3A_176, %get3A_181 : vector<16xf32>
        %get3A_183 = arith.constant 14 : i32
        %get3A_184 = arith.index_cast %get3A_183 : i32 to index
        %get3A_185 = arith.index_cast %mul3A_100 : i32 to index
        %get3A_186 = tpu.vector_load %arg10[%get3A_184, %get3A_185] {strides = array<i32>} : memref<16x512xf32, #tpu.memory_space<vmem>>, vector<1x16xf32>,
        %get3A_187 = vector.shape_cast %get3A_186 : vector<1x16xf32> to vector<16xf32>
        %add3A_188 = arith.addf %add3A_182, %get3A_187 : vector<16xf32>
        %get3A_189 = arith.constant 15 : i32
        %get3A_190 = arith.index_cast %get3A_189 : i32 to index
        %get3A_191 = arith.index_cast %mul3A_100 : i32 to index
        %get3A_192 = tpu.vector_load %arg10[%get3A_190, %get3A_191] {strides = array<i32>} : memref<16x512xf32, #tpu.memory_space<vmem>>, vector<1x16xf32>,
        %get3A_193 = vector.shape_cast %get3A_192 : vector<1x16xf32> to vector<16xf32>
        %add3A_194 = arith.addf %add3A_188, %get3A_193 : vector<16xf32>
        %mul3A_195 = vector.broadcast %scan3A_37 : f32 to vector<16xf32>
        %mul3A_196 = arith.mulf %add3A_194, %mul3A_195 : vector<16xf32>
        %swap3A = arith.index_cast %mul3A_61 : i32 to index
        %swap3A_197 = arith.index_cast %mul3A_100 : i32 to index
        %swap3A_198 = tpu.vector_load %arg9[%swap3A, %swap3A_197] {strides = array<i32>} : memref<128x512xf32, #tpu.memory_space<vmem>>, vector<1x16xf32>,
        %swap3A_199 = vector.shape_cast %swap3A_198 : vector<1x16xf32> to vector<16xf32>
        %swap3A_200 = vector.shape_cast %mul3A_196 : vector<16xf32> to vector<1x16xf32>
        tpu.vector_store %arg9[%swap3A, %swap3A_197], %swap3A_200 {strides = array<i32>} : memref<128x512xf32, #tpu.memory_space<vmem>>, vector<1x16xf32>,
      }
      %scan3A_81 = arith.constant 32 : i32
      %add3A_82 = arith.constant 1 : i32
      %add3A_83 = arith.addi %add3A_63, %add3A_82 : i32
      %lt3A = arith.constant 128 : i32
      %lt3A_84 = arith.cmpi slt, %add3A_83, %lt3A : i32
      %convert_element_type3A = arith.extui %lt3A_84 : i1 to i32
      %cond3A = arith.constant 0 : i32
      %cond3A_85 = arith.cmpi ne, %convert_element_type3A, %cond3A : i32
      scf.if %cond3A_85 {
        %add3A_98 = arith.constant 1 : i32
        %add3A_99 = arith.addi %add3A_63, %add3A_98 : i32
        %dma_start3A_100 = arith.constant 16 : i32
        %dma_start3A_101 = tpu.memref_slice %arg8[%add3A_99, %dma_start3A_100] : memref<128x128xi32, #tpu.memory_space<vmem>> -> memref<1x16xi32, #tpu.memory_space<vmem>>
        %dma_start3A_102 = tpu.memref_squeeze %dma_start3A_101 : memref<1x16xi32, #tpu.memory_space<vmem>> -> memref<16xi32, #tpu.memory_space<vmem>>
        %dma_start3A_103 = arith.constant 0 : i32
        %dma_start3A_104 = arith.constant 0 : i32
        %dma_start3A_105 = tpu.memref_slice %arg3[%dma_start3A_103, %dma_start3A_104] : memref<10000x512xf32, #tpu.memory_space<hbm>> -> memref<10000x512xf32, #tpu.memory_space<hbm>>
        tpu.enqueue_indirect_dma source(%dma_start3A_105 : memref<10000x512xf32, #tpu.memory_space<hbm>>) target(%arg10 : memref<16x512xf32, #tpu.memory_space<vmem>>) offsets(%dma_start3A_102 : memref<16xi32, #tpu.memory_space<vmem>>) semaphore(%arg13 : memref<!tpu.dma_semaphore, #tpu.memory_space<semaphore_mem>>)
      } else {
      }
      %dma_wait3A_86 = arith.constant 0 : i32
      %dma_wait3A_87 = arith.constant 0 : i32
      %dma_wait3A_88 = tpu.memref_slice %arg3[%dma_wait3A_86, %dma_wait3A_87] : memref<10000x512xf32, #tpu.memory_space<hbm>> -> memref<16x512xf32, #tpu.memory_space<hbm>>
      %dma_wait3A_89 = arith.constant 0 : i32
      %dma_wait3A_90 = arith.constant 0 : i32
      %dma_wait3A_91 = tpu.memref_slice %arg3[%dma_wait3A_89, %dma_wait3A_90] : memref<10000x512xf32, #tpu.memory_space<hbm>> -> memref<16x512xf32, #tpu.memory_space<hbm>>
      tpu.wait_dma2 semaphore(%arg14 : memref<!tpu.dma_semaphore, #tpu.memory_space<semaphore_mem>>) src(%dma_wait3A_91 : memref<16x512xf32, #tpu.memory_space<hbm>>) dst(%arg11 : memref<16x512xf32, #tpu.memory_space<vmem>>)
      %scan3A_92 = arith.constant 0 : i32
      %scan3A_93 = arith.constant 0 : i32
      %scan3A_94 = arith.constant 32 : i32
      %scan3A_95 = arith.addi %scan3A_93, %scan3A_94 : i32
      %scan3A_96 = arith.constant 1 : i32
      scf.for %scan3A_98 = %scan3A_93 to %scan3A_95 step %scan3A_96  : i32 {
        %mul3A_99 = arith.constant 16 : i32
        %mul3A_100 = arith.muli %scan3A_98, %mul3A_99 : i32
        %get3A = arith.constant 0 : i32
        %get3A_101 = arith.index_cast %get3A : i32 to index
        %get3A_102 = arith.index_cast %mul3A_100 : i32 to index
        %get3A_103 = tpu.vector_load %arg11[%get3A_101, %get3A_102] {strides = array<i32>} : memref<16x512xf32, #tpu.memory_space<vmem>>, vector<1x16xf32>,
        %get3A_104 = vector.shape_cast %get3A_103 : vector<1x16xf32> to vector<16xf32>
        %get3A_105 = arith.constant 1 : i32
        %get3A_106 = arith.index_cast %get3A_105 : i32 to index
        %get3A_107 = arith.index_cast %mul3A_100 : i32 to index
        %get3A_108 = tpu.vector_load %arg11[%get3A_106, %get3A_107] {strides = array<i32>} : memref<16x512xf32, #tpu.memory_space<vmem>>, vector<1x16xf32>,
        %get3A_109 = vector.shape_cast %get3A_108 : vector<1x16xf32> to vector<16xf32>
        %add3A_110 = arith.addf %get3A_104, %get3A_109 : vector<16xf32>
        %get3A_111 = arith.constant 2 : i32
        %get3A_112 = arith.index_cast %get3A_111 : i32 to index
        %get3A_113 = arith.index_cast %mul3A_100 : i32 to index
        %get3A_114 = tpu.vector_load %arg11[%get3A_112, %get3A_113] {strides = array<i32>} : memref<16x512xf32, #tpu.memory_space<vmem>>, vector<1x16xf32>,
        %get3A_115 = vector.shape_cast %get3A_114 : vector<1x16xf32> to vector<16xf32>
        %add3A_116 = arith.addf %add3A_110, %get3A_115 : vector<16xf32>
        %get3A_117 = arith.constant 3 : i32
        %get3A_118 = arith.index_cast %get3A_117 : i32 to index
        %get3A_119 = arith.index_cast %mul3A_100 : i32 to index
        %get3A_120 = tpu.vector_load %arg11[%get3A_118, %get3A_119] {strides = array<i32>} : memref<16x512xf32, #tpu.memory_space<vmem>>, vector<1x16xf32>,
        %get3A_121 = vector.shape_cast %get3A_120 : vector<1x16xf32> to vector<16xf32>
        %add3A_122 = arith.addf %add3A_116, %get3A_121 : vector<16xf32>
        %get3A_123 = arith.constant 4 : i32
        %get3A_124 = arith.index_cast %get3A_123 : i32 to index
        %get3A_125 = arith.index_cast %mul3A_100 : i32 to index
        %get3A_126 = tpu.vector_load %arg11[%get3A_124, %get3A_125] {strides = array<i32>} : memref<16x512xf32, #tpu.memory_space<vmem>>, vector<1x16xf32>,
        %get3A_127 = vector.shape_cast %get3A_126 : vector<1x16xf32> to vector<16xf32>
        %add3A_128 = arith.addf %add3A_122, %get3A_127 : vector<16xf32>
        %get3A_129 = arith.constant 5 : i32
        %get3A_130 = arith.index_cast %get3A_129 : i32 to index
        %get3A_131 = arith.index_cast %mul3A_100 : i32 to index
        %get3A_132 = tpu.vector_load %arg11[%get3A_130, %get3A_131] {strides = array<i32>} : memref<16x512xf32, #tpu.memory_space<vmem>>, vector<1x16xf32>,
        %get3A_133 = vector.shape_cast %get3A_132 : vector<1x16xf32> to vector<16xf32>
        %add3A_134 = arith.addf %add3A_128, %get3A_133 : vector<16xf32>
        %get3A_135 = arith.constant 6 : i32
        %get3A_136 = arith.index_cast %get3A_135 : i32 to index
        %get3A_137 = arith.index_cast %mul3A_100 : i32 to index
        %get3A_138 = tpu.vector_load %arg11[%get3A_136, %get3A_137] {strides = array<i32>} : memref<16x512xf32, #tpu.memory_space<vmem>>, vector<1x16xf32>,
        %get3A_139 = vector.shape_cast %get3A_138 : vector<1x16xf32> to vector<16xf32>
        %add3A_140 = arith.addf %add3A_134, %get3A_139 : vector<16xf32>
        %get3A_141 = arith.constant 7 : i32
        %get3A_142 = arith.index_cast %get3A_141 : i32 to index
        %get3A_143 = arith.index_cast %mul3A_100 : i32 to index
        %get3A_144 = tpu.vector_load %arg11[%get3A_142, %get3A_143] {strides = array<i32>} : memref<16x512xf32, #tpu.memory_space<vmem>>, vector<1x16xf32>,
        %get3A_145 = vector.shape_cast %get3A_144 : vector<1x16xf32> to vector<16xf32>
        %add3A_146 = arith.addf %add3A_140, %get3A_145 : vector<16xf32>
        %get3A_147 = arith.constant 8 : i32
        %get3A_148 = arith.index_cast %get3A_147 : i32 to index
        %get3A_149 = arith.index_cast %mul3A_100 : i32 to index
        %get3A_150 = tpu.vector_load %arg11[%get3A_148, %get3A_149] {strides = array<i32>} : memref<16x512xf32, #tpu.memory_space<vmem>>, vector<1x16xf32>,
        %get3A_151 = vector.shape_cast %get3A_150 : vector<1x16xf32> to vector<16xf32>
        %add3A_152 = arith.addf %add3A_146, %get3A_151 : vector<16xf32>
        %get3A_153 = arith.constant 9 : i32
        %get3A_154 = arith.index_cast %get3A_153 : i32 to index
        %get3A_155 = arith.index_cast %mul3A_100 : i32 to index
        %get3A_156 = tpu.vector_load %arg11[%get3A_154, %get3A_155] {strides = array<i32>} : memref<16x512xf32, #tpu.memory_space<vmem>>, vector<1x16xf32>,
        %get3A_157 = vector.shape_cast %get3A_156 : vector<1x16xf32> to vector<16xf32>
        %add3A_158 = arith.addf %add3A_152, %get3A_157 : vector<16xf32>
        %get3A_159 = arith.constant 10 : i32
        %get3A_160 = arith.index_cast %get3A_159 : i32 to index
        %get3A_161 = arith.index_cast %mul3A_100 : i32 to index
        %get3A_162 = tpu.vector_load %arg11[%get3A_160, %get3A_161] {strides = array<i32>} : memref<16x512xf32, #tpu.memory_space<vmem>>, vector<1x16xf32>,
        %get3A_163 = vector.shape_cast %get3A_162 : vector<1x16xf32> to vector<16xf32>
        %add3A_164 = arith.addf %add3A_158, %get3A_163 : vector<16xf32>
        %get3A_165 = arith.constant 11 : i32
        %get3A_166 = arith.index_cast %get3A_165 : i32 to index
        %get3A_167 = arith.index_cast %mul3A_100 : i32 to index
        %get3A_168 = tpu.vector_load %arg11[%get3A_166, %get3A_167] {strides = array<i32>} : memref<16x512xf32, #tpu.memory_space<vmem>>, vector<1x16xf32>,
        %get3A_169 = vector.shape_cast %get3A_168 : vector<1x16xf32> to vector<16xf32>
        %add3A_170 = arith.addf %add3A_164, %get3A_169 : vector<16xf32>
        %get3A_171 = arith.constant 12 : i32
        %get3A_172 = arith.index_cast %get3A_171 : i32 to index
        %get3A_173 = arith.index_cast %mul3A_100 : i32 to index
        %get3A_174 = tpu.vector_load %arg11[%get3A_172, %get3A_173] {strides = array<i32>} : memref<16x512xf32, #tpu.memory_space<vmem>>, vector<1x16xf32>,
        %get3A_175 = vector.shape_cast %get3A_174 : vector<1x16xf32> to vector<16xf32>
        %add3A_176 = arith.addf %add3A_170, %get3A_175 : vector<16xf32>
        %get3A_177 = arith.constant 13 : i32
        %get3A_178 = arith.index_cast %get3A_177 : i32 to index
        %get3A_179 = arith.index_cast %mul3A_100 : i32 to index
        %get3A_180 = tpu.vector_load %arg11[%get3A_178, %get3A_179] {strides = array<i32>} : memref<16x512xf32, #tpu.memory_space<vmem>>, vector<1x16xf32>,
        %get3A_181 = vector.shape_cast %get3A_180 : vector<1x16xf32> to vector<16xf32>
        %add3A_182 = arith.addf %add3A_176, %get3A_181 : vector<16xf32>
        %get3A_183 = arith.constant 14 : i32
        %get3A_184 = arith.index_cast %get3A_183 : i32 to index
        %get3A_185 = arith.index_cast %mul3A_100 : i32 to index
        %get3A_186 = tpu.vector_load %arg11[%get3A_184, %get3A_185] {strides = array<i32>} : memref<16x512xf32, #tpu.memory_space<vmem>>, vector<1x16xf32>,
        %get3A_187 = vector.shape_cast %get3A_186 : vector<1x16xf32> to vector<16xf32>
        %add3A_188 = arith.addf %add3A_182, %get3A_187 : vector<16xf32>
        %get3A_189 = arith.constant 15 : i32
        %get3A_190 = arith.index_cast %get3A_189 : i32 to index
        %get3A_191 = arith.index_cast %mul3A_100 : i32 to index
        %get3A_192 = tpu.vector_load %arg11[%get3A_190, %get3A_191] {strides = array<i32>} : memref<16x512xf32, #tpu.memory_space<vmem>>, vector<1x16xf32>,
        %get3A_193 = vector.shape_cast %get3A_192 : vector<1x16xf32> to vector<16xf32>
        %add3A_194 = arith.addf %add3A_188, %get3A_193 : vector<16xf32>
        %mul3A_195 = vector.broadcast %scan3A_37 : f32 to vector<16xf32>
        %mul3A_196 = arith.mulf %add3A_194, %mul3A_195 : vector<16xf32>
        %swap3A = arith.index_cast %add3A_63 : i32 to index
        %swap3A_197 = arith.index_cast %mul3A_100 : i32 to index
        %swap3A_198 = tpu.vector_load %arg9[%swap3A, %swap3A_197] {strides = array<i32>} : memref<128x512xf32, #tpu.memory_space<vmem>>, vector<1x16xf32>,
        %swap3A_199 = vector.shape_cast %swap3A_198 : vector<1x16xf32> to vector<16xf32>
        %swap3A_200 = vector.shape_cast %mul3A_196 : vector<16xf32> to vector<1x16xf32>
        tpu.vector_store %arg9[%swap3A, %swap3A_197], %swap3A_200 {strides = array<i32>} : memref<128x512xf32, #tpu.memory_space<vmem>>, vector<1x16xf32>,
      }
      %scan3A_97 = arith.constant 32 : i32
    }
    %scan3A_42 = arith.constant 64 : i32
    %run_scoped3A_43 = arith.constant 1 : i32
    "tpu.region"() ({
      %run_scoped3A_59 = tpu.sem_alloc : memref<!tpu.dma_semaphore, #tpu.memory_space<semaphore_mem>>
      %dma_start3A_60 = arith.constant 0 : i32
      %dma_start3A_61 = arith.constant 0 : i32
      %dma_start3A_62 = tpu.memref_slice %arg6[%run_scoped3A_43, %dma_start3A_60, %dma_start3A_61] : memref<3x4096x512xf32, #tpu.memory_space<hbm>> -> memref<1x4096x512xf32, #tpu.memory_space<hbm>>
      %dma_start3A_63 = tpu.memref_squeeze %dma_start3A_62 : memref<1x4096x512xf32, #tpu.memory_space<hbm>> -> memref<4096x512xf32, #tpu.memory_space<hbm>>
      %dma_start3A_64 = arith.constant 0 : i32
      %dma_start3A_65 = tpu.memref_slice %dma_start3A_63[%mul3A_2, %dma_start3A_64] : memref<4096x512xf32, #tpu.memory_space<hbm>> -> memref<128x512xf32, #tpu.memory_space<hbm>>
      %dma_start3A_66 = arith.constant 0 : i32
      %dma_start3A_67 = arith.constant 0 : i32
      %dma_start3A_68 = tpu.memref_slice %arg6[%run_scoped3A_43, %dma_start3A_66, %dma_start3A_67] : memref<3x4096x512xf32, #tpu.memory_space<hbm>> -> memref<1x4096x512xf32, #tpu.memory_space<hbm>>
      %dma_start3A_69 = tpu.memref_squeeze %dma_start3A_68 : memref<1x4096x512xf32, #tpu.memory_space<hbm>> -> memref<4096x512xf32, #tpu.memory_space<hbm>>
      %dma_start3A_70 = arith.constant 0 : i32
      %dma_start3A_71 = tpu.memref_slice %dma_start3A_69[%mul3A_2, %dma_start3A_70] : memref<4096x512xf32, #tpu.memory_space<hbm>> -> memref<128x512xf32, #tpu.memory_space<hbm>>
      tpu.enqueue_dma source(%arg9 : memref<128x512xf32, #tpu.memory_space<vmem>>) target(%dma_start3A_71 : memref<128x512xf32, #tpu.memory_space<hbm>>) target_semaphore(%run_scoped3A_59 : memref<!tpu.dma_semaphore, #tpu.memory_space<semaphore_mem>>)
      %dma_wait3A_72 = arith.constant 0 : i32
      %dma_wait3A_73 = arith.constant 0 : i32
      %dma_wait3A_74 = tpu.memref_slice %arg6[%run_scoped3A_43, %dma_wait3A_72, %dma_wait3A_73] : memref<3x4096x512xf32, #tpu.memory_space<hbm>> -> memref<1x4096x512xf32, #tpu.memory_space<hbm>>
      %dma_wait3A_75 = tpu.memref_squeeze %dma_wait3A_74 : memref<1x4096x512xf32, #tpu.memory_space<hbm>> -> memref<4096x512xf32, #tpu.memory_space<hbm>>
      %dma_wait3A_76 = arith.constant 0 : i32
      %dma_wait3A_77 = tpu.memref_slice %dma_wait3A_75[%mul3A_2, %dma_wait3A_76] : memref<4096x512xf32, #tpu.memory_space<hbm>> -> memref<128x512xf32, #tpu.memory_space<hbm>>
      %dma_wait3A_78 = arith.constant 0 : i32
      %dma_wait3A_79 = arith.constant 0 : i32
      %dma_wait3A_80 = tpu.memref_slice %arg6[%run_scoped3A_43, %dma_wait3A_78, %dma_wait3A_79] : memref<3x4096x512xf32, #tpu.memory_space<hbm>> -> memref<1x4096x512xf32, #tpu.memory_space<hbm>>
      %dma_wait3A_81 = tpu.memref_squeeze %dma_wait3A_80 : memref<1x4096x512xf32, #tpu.memory_space<hbm>> -> memref<4096x512xf32, #tpu.memory_space<hbm>>
      %dma_wait3A_82 = arith.constant 0 : i32
      %dma_wait3A_83 = tpu.memref_slice %dma_wait3A_81[%mul3A_2, %dma_wait3A_82] : memref<4096x512xf32, #tpu.memory_space<hbm>> -> memref<128x512xf32, #tpu.memory_space<hbm>>
      tpu.wait_dma2 semaphore(%run_scoped3A_59 : memref<!tpu.dma_semaphore, #tpu.memory_space<semaphore_mem>>) src(%arg9 : memref<128x512xf32, #tpu.memory_space<vmem>>) dst(%dma_wait3A_83 : memref<128x512xf32, #tpu.memory_space<hbm>>)
      tpu.yield
    }) : () -> ()
    %dma_start3A_44 = arith.constant 0 : i32
    %dma_start3A_45 = arith.constant 32 : i32
    %dma_start3A_46 = tpu.memref_slice %arg8[%dma_start3A_44, %dma_start3A_45] : memref<128x128xi32, #tpu.memory_space<vmem>> -> memref<1x16xi32, #tpu.memory_space<vmem>>
    %dma_start3A_47 = tpu.memref_squeeze %dma_start3A_46 : memref<1x16xi32, #tpu.memory_space<vmem>> -> memref<16xi32, #tpu.memory_space<vmem>>
    %dma_start3A_48 = arith.constant 0 : i32
    %dma_start3A_49 = arith.constant 0 : i32
    %dma_start3A_50 = tpu.memref_slice %arg3[%dma_start3A_48, %dma_start3A_49] : memref<10000x512xf32, #tpu.memory_space<hbm>> -> memref<10000x512xf32, #tpu.memory_space<hbm>>
    tpu.enqueue_indirect_dma source(%dma_start3A_50 : memref<10000x512xf32, #tpu.memory_space<hbm>>) target(%arg10 : memref<16x512xf32, #tpu.memory_space<vmem>>) offsets(%dma_start3A_47 : memref<16xi32, #tpu.memory_space<vmem>>) semaphore(%arg13 : memref<!tpu.dma_semaphore, #tpu.memory_space<semaphore_mem>>)
    %scan3A_51 = arith.constant 0 : i32
    %scan3A_52 = arith.constant 6.250000e-02 : f32
    %scan3A_53 = arith.constant 0 : i32
    %scan3A_54 = arith.constant 64 : i32
    %scan3A_55 = arith.addi %scan3A_53, %scan3A_54 : i32
    %scan3A_56 = arith.constant 1 : i32
    scf.for %scan3A_59 = %scan3A_53 to %scan3A_55 step %scan3A_56  : i32 {
      %mul3A_60 = arith.constant 2 : i32
      %mul3A_61 = arith.muli %mul3A_60, %scan3A_59 : i32
      %add3A_62 = arith.constant 1 : i32
      %add3A_63 = arith.addi %mul3A_61, %add3A_62 : i32
      %dma_start3A_64 = arith.constant 32 : i32
      %dma_start3A_65 = tpu.memref_slice %arg8[%add3A_63, %dma_start3A_64] : memref<128x128xi32, #tpu.memory_space<vmem>> -> memref<1x16xi32, #tpu.memory_space<vmem>>
      %dma_start3A_66 = tpu.memref_squeeze %dma_start3A_65 : memref<1x16xi32, #tpu.memory_space<vmem>> -> memref<16xi32, #tpu.memory_space<vmem>>
      %dma_start3A_67 = arith.constant 0 : i32
      %dma_start3A_68 = arith.constant 0 : i32
      %dma_start3A_69 = tpu.memref_slice %arg3[%dma_start3A_67, %dma_start3A_68] : memref<10000x512xf32, #tpu.memory_space<hbm>> -> memref<10000x512xf32, #tpu.memory_space<hbm>>
      tpu.enqueue_indirect_dma source(%dma_start3A_69 : memref<10000x512xf32, #tpu.memory_space<hbm>>) target(%arg11 : memref<16x512xf32, #tpu.memory_space<vmem>>) offsets(%dma_start3A_66 : memref<16xi32, #tpu.memory_space<vmem>>) semaphore(%arg14 : memref<!tpu.dma_semaphore, #tpu.memory_space<semaphore_mem>>)
      %dma_wait3A_70 = arith.constant 0 : i32
      %dma_wait3A_71 = arith.constant 0 : i32
      %dma_wait3A_72 = tpu.memref_slice %arg3[%dma_wait3A_70, %dma_wait3A_71] : memref<10000x512xf32, #tpu.memory_space<hbm>> -> memref<16x512xf32, #tpu.memory_space<hbm>>
      %dma_wait3A_73 = arith.constant 0 : i32
      %dma_wait3A_74 = arith.constant 0 : i32
      %dma_wait3A_75 = tpu.memref_slice %arg3[%dma_wait3A_73, %dma_wait3A_74] : memref<10000x512xf32, #tpu.memory_space<hbm>> -> memref<16x512xf32, #tpu.memory_space<hbm>>
      tpu.wait_dma2 semaphore(%arg13 : memref<!tpu.dma_semaphore, #tpu.memory_space<semaphore_mem>>) src(%dma_wait3A_75 : memref<16x512xf32, #tpu.memory_space<hbm>>) dst(%arg10 : memref<16x512xf32, #tpu.memory_space<vmem>>)
      %scan3A_76 = arith.constant 0 : i32
      %scan3A_77 = arith.constant 0 : i32
      %scan3A_78 = arith.constant 32 : i32
      %scan3A_79 = arith.addi %scan3A_77, %scan3A_78 : i32
      %scan3A_80 = arith.constant 1 : i32
      scf.for %scan3A_98 = %scan3A_77 to %scan3A_79 step %scan3A_80  : i32 {
        %mul3A_99 = arith.constant 16 : i32
        %mul3A_100 = arith.muli %scan3A_98, %mul3A_99 : i32
        %get3A = arith.constant 0 : i32
        %get3A_101 = arith.index_cast %get3A : i32 to index
        %get3A_102 = arith.index_cast %mul3A_100 : i32 to index
        %get3A_103 = tpu.vector_load %arg10[%get3A_101, %get3A_102] {strides = array<i32>} : memref<16x512xf32, #tpu.memory_space<vmem>>, vector<1x16xf32>,
        %get3A_104 = vector.shape_cast %get3A_103 : vector<1x16xf32> to vector<16xf32>
        %get3A_105 = arith.constant 1 : i32
        %get3A_106 = arith.index_cast %get3A_105 : i32 to index
        %get3A_107 = arith.index_cast %mul3A_100 : i32 to index
        %get3A_108 = tpu.vector_load %arg10[%get3A_106, %get3A_107] {strides = array<i32>} : memref<16x512xf32, #tpu.memory_space<vmem>>, vector<1x16xf32>,
        %get3A_109 = vector.shape_cast %get3A_108 : vector<1x16xf32> to vector<16xf32>
        %add3A_110 = arith.addf %get3A_104, %get3A_109 : vector<16xf32>
        %get3A_111 = arith.constant 2 : i32
        %get3A_112 = arith.index_cast %get3A_111 : i32 to index
        %get3A_113 = arith.index_cast %mul3A_100 : i32 to index
        %get3A_114 = tpu.vector_load %arg10[%get3A_112, %get3A_113] {strides = array<i32>} : memref<16x512xf32, #tpu.memory_space<vmem>>, vector<1x16xf32>,
        %get3A_115 = vector.shape_cast %get3A_114 : vector<1x16xf32> to vector<16xf32>
        %add3A_116 = arith.addf %add3A_110, %get3A_115 : vector<16xf32>
        %get3A_117 = arith.constant 3 : i32
        %get3A_118 = arith.index_cast %get3A_117 : i32 to index
        %get3A_119 = arith.index_cast %mul3A_100 : i32 to index
        %get3A_120 = tpu.vector_load %arg10[%get3A_118, %get3A_119] {strides = array<i32>} : memref<16x512xf32, #tpu.memory_space<vmem>>, vector<1x16xf32>,
        %get3A_121 = vector.shape_cast %get3A_120 : vector<1x16xf32> to vector<16xf32>
        %add3A_122 = arith.addf %add3A_116, %get3A_121 : vector<16xf32>
        %get3A_123 = arith.constant 4 : i32
        %get3A_124 = arith.index_cast %get3A_123 : i32 to index
        %get3A_125 = arith.index_cast %mul3A_100 : i32 to index
        %get3A_126 = tpu.vector_load %arg10[%get3A_124, %get3A_125] {strides = array<i32>} : memref<16x512xf32, #tpu.memory_space<vmem>>, vector<1x16xf32>,
        %get3A_127 = vector.shape_cast %get3A_126 : vector<1x16xf32> to vector<16xf32>
        %add3A_128 = arith.addf %add3A_122, %get3A_127 : vector<16xf32>
        %get3A_129 = arith.constant 5 : i32
        %get3A_130 = arith.index_cast %get3A_129 : i32 to index
        %get3A_131 = arith.index_cast %mul3A_100 : i32 to index
        %get3A_132 = tpu.vector_load %arg10[%get3A_130, %get3A_131] {strides = array<i32>} : memref<16x512xf32, #tpu.memory_space<vmem>>, vector<1x16xf32>,
        %get3A_133 = vector.shape_cast %get3A_132 : vector<1x16xf32> to vector<16xf32>
        %add3A_134 = arith.addf %add3A_128, %get3A_133 : vector<16xf32>
        %get3A_135 = arith.constant 6 : i32
        %get3A_136 = arith.index_cast %get3A_135 : i32 to index
        %get3A_137 = arith.index_cast %mul3A_100 : i32 to index
        %get3A_138 = tpu.vector_load %arg10[%get3A_136, %get3A_137] {strides = array<i32>} : memref<16x512xf32, #tpu.memory_space<vmem>>, vector<1x16xf32>,
        %get3A_139 = vector.shape_cast %get3A_138 : vector<1x16xf32> to vector<16xf32>
        %add3A_140 = arith.addf %add3A_134, %get3A_139 : vector<16xf32>
        %get3A_141 = arith.constant 7 : i32
        %get3A_142 = arith.index_cast %get3A_141 : i32 to index
        %get3A_143 = arith.index_cast %mul3A_100 : i32 to index
        %get3A_144 = tpu.vector_load %arg10[%get3A_142, %get3A_143] {strides = array<i32>} : memref<16x512xf32, #tpu.memory_space<vmem>>, vector<1x16xf32>,
        %get3A_145 = vector.shape_cast %get3A_144 : vector<1x16xf32> to vector<16xf32>
        %add3A_146 = arith.addf %add3A_140, %get3A_145 : vector<16xf32>
        %get3A_147 = arith.constant 8 : i32
        %get3A_148 = arith.index_cast %get3A_147 : i32 to index
        %get3A_149 = arith.index_cast %mul3A_100 : i32 to index
        %get3A_150 = tpu.vector_load %arg10[%get3A_148, %get3A_149] {strides = array<i32>} : memref<16x512xf32, #tpu.memory_space<vmem>>, vector<1x16xf32>,
        %get3A_151 = vector.shape_cast %get3A_150 : vector<1x16xf32> to vector<16xf32>
        %add3A_152 = arith.addf %add3A_146, %get3A_151 : vector<16xf32>
        %get3A_153 = arith.constant 9 : i32
        %get3A_154 = arith.index_cast %get3A_153 : i32 to index
        %get3A_155 = arith.index_cast %mul3A_100 : i32 to index
        %get3A_156 = tpu.vector_load %arg10[%get3A_154, %get3A_155] {strides = array<i32>} : memref<16x512xf32, #tpu.memory_space<vmem>>, vector<1x16xf32>,
        %get3A_157 = vector.shape_cast %get3A_156 : vector<1x16xf32> to vector<16xf32>
        %add3A_158 = arith.addf %add3A_152, %get3A_157 : vector<16xf32>
        %get3A_159 = arith.constant 10 : i32
        %get3A_160 = arith.index_cast %get3A_159 : i32 to index
        %get3A_161 = arith.index_cast %mul3A_100 : i32 to index
        %get3A_162 = tpu.vector_load %arg10[%get3A_160, %get3A_161] {strides = array<i32>} : memref<16x512xf32, #tpu.memory_space<vmem>>, vector<1x16xf32>,
        %get3A_163 = vector.shape_cast %get3A_162 : vector<1x16xf32> to vector<16xf32>
        %add3A_164 = arith.addf %add3A_158, %get3A_163 : vector<16xf32>
        %get3A_165 = arith.constant 11 : i32
        %get3A_166 = arith.index_cast %get3A_165 : i32 to index
        %get3A_167 = arith.index_cast %mul3A_100 : i32 to index
        %get3A_168 = tpu.vector_load %arg10[%get3A_166, %get3A_167] {strides = array<i32>} : memref<16x512xf32, #tpu.memory_space<vmem>>, vector<1x16xf32>,
        %get3A_169 = vector.shape_cast %get3A_168 : vector<1x16xf32> to vector<16xf32>
        %add3A_170 = arith.addf %add3A_164, %get3A_169 : vector<16xf32>
        %get3A_171 = arith.constant 12 : i32
        %get3A_172 = arith.index_cast %get3A_171 : i32 to index
        %get3A_173 = arith.index_cast %mul3A_100 : i32 to index
        %get3A_174 = tpu.vector_load %arg10[%get3A_172, %get3A_173] {strides = array<i32>} : memref<16x512xf32, #tpu.memory_space<vmem>>, vector<1x16xf32>,
        %get3A_175 = vector.shape_cast %get3A_174 : vector<1x16xf32> to vector<16xf32>
        %add3A_176 = arith.addf %add3A_170, %get3A_175 : vector<16xf32>
        %get3A_177 = arith.constant 13 : i32
        %get3A_178 = arith.index_cast %get3A_177 : i32 to index
        %get3A_179 = arith.index_cast %mul3A_100 : i32 to index
        %get3A_180 = tpu.vector_load %arg10[%get3A_178, %get3A_179] {strides = array<i32>} : memref<16x512xf32, #tpu.memory_space<vmem>>, vector<1x16xf32>,
        %get3A_181 = vector.shape_cast %get3A_180 : vector<1x16xf32> to vector<16xf32>
        %add3A_182 = arith.addf %add3A_176, %get3A_181 : vector<16xf32>
        %get3A_183 = arith.constant 14 : i32
        %get3A_184 = arith.index_cast %get3A_183 : i32 to index
        %get3A_185 = arith.index_cast %mul3A_100 : i32 to index
        %get3A_186 = tpu.vector_load %arg10[%get3A_184, %get3A_185] {strides = array<i32>} : memref<16x512xf32, #tpu.memory_space<vmem>>, vector<1x16xf32>,
        %get3A_187 = vector.shape_cast %get3A_186 : vector<1x16xf32> to vector<16xf32>
        %add3A_188 = arith.addf %add3A_182, %get3A_187 : vector<16xf32>
        %get3A_189 = arith.constant 15 : i32
        %get3A_190 = arith.index_cast %get3A_189 : i32 to index
        %get3A_191 = arith.index_cast %mul3A_100 : i32 to index
        %get3A_192 = tpu.vector_load %arg10[%get3A_190, %get3A_191] {strides = array<i32>} : memref<16x512xf32, #tpu.memory_space<vmem>>, vector<1x16xf32>,
        %get3A_193 = vector.shape_cast %get3A_192 : vector<1x16xf32> to vector<16xf32>
        %add3A_194 = arith.addf %add3A_188, %get3A_193 : vector<16xf32>
        %mul3A_195 = vector.broadcast %scan3A_52 : f32 to vector<16xf32>
        %mul3A_196 = arith.mulf %add3A_194, %mul3A_195 : vector<16xf32>
        %swap3A = arith.index_cast %mul3A_61 : i32 to index
        %swap3A_197 = arith.index_cast %mul3A_100 : i32 to index
        %swap3A_198 = tpu.vector_load %arg9[%swap3A, %swap3A_197] {strides = array<i32>} : memref<128x512xf32, #tpu.memory_space<vmem>>, vector<1x16xf32>,
        %swap3A_199 = vector.shape_cast %swap3A_198 : vector<1x16xf32> to vector<16xf32>
        %swap3A_200 = vector.shape_cast %mul3A_196 : vector<16xf32> to vector<1x16xf32>
        tpu.vector_store %arg9[%swap3A, %swap3A_197], %swap3A_200 {strides = array<i32>} : memref<128x512xf32, #tpu.memory_space<vmem>>, vector<1x16xf32>,
      }
      %scan3A_81 = arith.constant 32 : i32
      %add3A_82 = arith.constant 1 : i32
      %add3A_83 = arith.addi %add3A_63, %add3A_82 : i32
      %lt3A = arith.constant 128 : i32
      %lt3A_84 = arith.cmpi slt, %add3A_83, %lt3A : i32
      %convert_element_type3A = arith.extui %lt3A_84 : i1 to i32
      %cond3A = arith.constant 0 : i32
      %cond3A_85 = arith.cmpi ne, %convert_element_type3A, %cond3A : i32
      scf.if %cond3A_85 {
        %add3A_98 = arith.constant 1 : i32
        %add3A_99 = arith.addi %add3A_63, %add3A_98 : i32
        %dma_start3A_100 = arith.constant 32 : i32
        %dma_start3A_101 = tpu.memref_slice %arg8[%add3A_99, %dma_start3A_100] : memref<128x128xi32, #tpu.memory_space<vmem>> -> memref<1x16xi32, #tpu.memory_space<vmem>>
        %dma_start3A_102 = tpu.memref_squeeze %dma_start3A_101 : memref<1x16xi32, #tpu.memory_space<vmem>> -> memref<16xi32, #tpu.memory_space<vmem>>
        %dma_start3A_103 = arith.constant 0 : i32
        %dma_start3A_104 = arith.constant 0 : i32
        %dma_start3A_105 = tpu.memref_slice %arg3[%dma_start3A_103, %dma_start3A_104] : memref<10000x512xf32, #tpu.memory_space<hbm>> -> memref<10000x512xf32, #tpu.memory_space<hbm>>
        tpu.enqueue_indirect_dma source(%dma_start3A_105 : memref<10000x512xf32, #tpu.memory_space<hbm>>) target(%arg10 : memref<16x512xf32, #tpu.memory_space<vmem>>) offsets(%dma_start3A_102 : memref<16xi32, #tpu.memory_space<vmem>>) semaphore(%arg13 : memref<!tpu.dma_semaphore, #tpu.memory_space<semaphore_mem>>)
      } else {
      }
      %dma_wait3A_86 = arith.constant 0 : i32
      %dma_wait3A_87 = arith.constant 0 : i32
      %dma_wait3A_88 = tpu.memref_slice %arg3[%dma_wait3A_86, %dma_wait3A_87] : memref<10000x512xf32, #tpu.memory_space<hbm>> -> memref<16x512xf32, #tpu.memory_space<hbm>>
      %dma_wait3A_89 = arith.constant 0 : i32
      %dma_wait3A_90 = arith.constant 0 : i32
      %dma_wait3A_91 = tpu.memref_slice %arg3[%dma_wait3A_89, %dma_wait3A_90] : memref<10000x512xf32, #tpu.memory_space<hbm>> -> memref<16x512xf32, #tpu.memory_space<hbm>>
      tpu.wait_dma2 semaphore(%arg14 : memref<!tpu.dma_semaphore, #tpu.memory_space<semaphore_mem>>) src(%dma_wait3A_91 : memref<16x512xf32, #tpu.memory_space<hbm>>) dst(%arg11 : memref<16x512xf32, #tpu.memory_space<vmem>>)
      %scan3A_92 = arith.constant 0 : i32
      %scan3A_93 = arith.constant 0 : i32
      %scan3A_94 = arith.constant 32 : i32
      %scan3A_95 = arith.addi %scan3A_93, %scan3A_94 : i32
      %scan3A_96 = arith.constant 1 : i32
      scf.for %scan3A_98 = %scan3A_93 to %scan3A_95 step %scan3A_96  : i32 {
        %mul3A_99 = arith.constant 16 : i32
        %mul3A_100 = arith.muli %scan3A_98, %mul3A_99 : i32
        %get3A = arith.constant 0 : i32
        %get3A_101 = arith.index_cast %get3A : i32 to index
        %get3A_102 = arith.index_cast %mul3A_100 : i32 to index
        %get3A_103 = tpu.vector_load %arg11[%get3A_101, %get3A_102] {strides = array<i32>} : memref<16x512xf32, #tpu.memory_space<vmem>>, vector<1x16xf32>,
        %get3A_104 = vector.shape_cast %get3A_103 : vector<1x16xf32> to vector<16xf32>
        %get3A_105 = arith.constant 1 : i32
        %get3A_106 = arith.index_cast %get3A_105 : i32 to index
        %get3A_107 = arith.index_cast %mul3A_100 : i32 to index
        %get3A_108 = tpu.vector_load %arg11[%get3A_106, %get3A_107] {strides = array<i32>} : memref<16x512xf32, #tpu.memory_space<vmem>>, vector<1x16xf32>,
        %get3A_109 = vector.shape_cast %get3A_108 : vector<1x16xf32> to vector<16xf32>
        %add3A_110 = arith.addf %get3A_104, %get3A_109 : vector<16xf32>
        %get3A_111 = arith.constant 2 : i32
        %get3A_112 = arith.index_cast %get3A_111 : i32 to index
        %get3A_113 = arith.index_cast %mul3A_100 : i32 to index
        %get3A_114 = tpu.vector_load %arg11[%get3A_112, %get3A_113] {strides = array<i32>} : memref<16x512xf32, #tpu.memory_space<vmem>>, vector<1x16xf32>,
        %get3A_115 = vector.shape_cast %get3A_114 : vector<1x16xf32> to vector<16xf32>
        %add3A_116 = arith.addf %add3A_110, %get3A_115 : vector<16xf32>
        %get3A_117 = arith.constant 3 : i32
        %get3A_118 = arith.index_cast %get3A_117 : i32 to index
        %get3A_119 = arith.index_cast %mul3A_100 : i32 to index
        %get3A_120 = tpu.vector_load %arg11[%get3A_118, %get3A_119] {strides = array<i32>} : memref<16x512xf32, #tpu.memory_space<vmem>>, vector<1x16xf32>,
        %get3A_121 = vector.shape_cast %get3A_120 : vector<1x16xf32> to vector<16xf32>
        %add3A_122 = arith.addf %add3A_116, %get3A_121 : vector<16xf32>
        %get3A_123 = arith.constant 4 : i32
        %get3A_124 = arith.index_cast %get3A_123 : i32 to index
        %get3A_125 = arith.index_cast %mul3A_100 : i32 to index
        %get3A_126 = tpu.vector_load %arg11[%get3A_124, %get3A_125] {strides = array<i32>} : memref<16x512xf32, #tpu.memory_space<vmem>>, vector<1x16xf32>,
        %get3A_127 = vector.shape_cast %get3A_126 : vector<1x16xf32> to vector<16xf32>
        %add3A_128 = arith.addf %add3A_122, %get3A_127 : vector<16xf32>
        %get3A_129 = arith.constant 5 : i32
        %get3A_130 = arith.index_cast %get3A_129 : i32 to index
        %get3A_131 = arith.index_cast %mul3A_100 : i32 to index
        %get3A_132 = tpu.vector_load %arg11[%get3A_130, %get3A_131] {strides = array<i32>} : memref<16x512xf32, #tpu.memory_space<vmem>>, vector<1x16xf32>,
        %get3A_133 = vector.shape_cast %get3A_132 : vector<1x16xf32> to vector<16xf32>
        %add3A_134 = arith.addf %add3A_128, %get3A_133 : vector<16xf32>
        %get3A_135 = arith.constant 6 : i32
        %get3A_136 = arith.index_cast %get3A_135 : i32 to index
        %get3A_137 = arith.index_cast %mul3A_100 : i32 to index
        %get3A_138 = tpu.vector_load %arg11[%get3A_136, %get3A_137] {strides = array<i32>} : memref<16x512xf32, #tpu.memory_space<vmem>>, vector<1x16xf32>,
        %get3A_139 = vector.shape_cast %get3A_138 : vector<1x16xf32> to vector<16xf32>
        %add3A_140 = arith.addf %add3A_134, %get3A_139 : vector<16xf32>
        %get3A_141 = arith.constant 7 : i32
        %get3A_142 = arith.index_cast %get3A_141 : i32 to index
        %get3A_143 = arith.index_cast %mul3A_100 : i32 to index
        %get3A_144 = tpu.vector_load %arg11[%get3A_142, %get3A_143] {strides = array<i32>} : memref<16x512xf32, #tpu.memory_space<vmem>>, vector<1x16xf32>,
        %get3A_145 = vector.shape_cast %get3A_144 : vector<1x16xf32> to vector<16xf32>
        %add3A_146 = arith.addf %add3A_140, %get3A_145 : vector<16xf32>
        %get3A_147 = arith.constant 8 : i32
        %get3A_148 = arith.index_cast %get3A_147 : i32 to index
        %get3A_149 = arith.index_cast %mul3A_100 : i32 to index
        %get3A_150 = tpu.vector_load %arg11[%get3A_148, %get3A_149] {strides = array<i32>} : memref<16x512xf32, #tpu.memory_space<vmem>>, vector<1x16xf32>,
        %get3A_151 = vector.shape_cast %get3A_150 : vector<1x16xf32> to vector<16xf32>
        %add3A_152 = arith.addf %add3A_146, %get3A_151 : vector<16xf32>
        %get3A_153 = arith.constant 9 : i32
        %get3A_154 = arith.index_cast %get3A_153 : i32 to index
        %get3A_155 = arith.index_cast %mul3A_100 : i32 to index
        %get3A_156 = tpu.vector_load %arg11[%get3A_154, %get3A_155] {strides = array<i32>} : memref<16x512xf32, #tpu.memory_space<vmem>>, vector<1x16xf32>,
        %get3A_157 = vector.shape_cast %get3A_156 : vector<1x16xf32> to vector<16xf32>
        %add3A_158 = arith.addf %add3A_152, %get3A_157 : vector<16xf32>
        %get3A_159 = arith.constant 10 : i32
        %get3A_160 = arith.index_cast %get3A_159 : i32 to index
        %get3A_161 = arith.index_cast %mul3A_100 : i32 to index
        %get3A_162 = tpu.vector_load %arg11[%get3A_160, %get3A_161] {strides = array<i32>} : memref<16x512xf32, #tpu.memory_space<vmem>>, vector<1x16xf32>,
        %get3A_163 = vector.shape_cast %get3A_162 : vector<1x16xf32> to vector<16xf32>
        %add3A_164 = arith.addf %add3A_158, %get3A_163 : vector<16xf32>
        %get3A_165 = arith.constant 11 : i32
        %get3A_166 = arith.index_cast %get3A_165 : i32 to index
        %get3A_167 = arith.index_cast %mul3A_100 : i32 to index
        %get3A_168 = tpu.vector_load %arg11[%get3A_166, %get3A_167] {strides = array<i32>} : memref<16x512xf32, #tpu.memory_space<vmem>>, vector<1x16xf32>,
        %get3A_169 = vector.shape_cast %get3A_168 : vector<1x16xf32> to vector<16xf32>
        %add3A_170 = arith.addf %add3A_164, %get3A_169 : vector<16xf32>
        %get3A_171 = arith.constant 12 : i32
        %get3A_172 = arith.index_cast %get3A_171 : i32 to index
        %get3A_173 = arith.index_cast %mul3A_100 : i32 to index
        %get3A_174 = tpu.vector_load %arg11[%get3A_172, %get3A_173] {strides = array<i32>} : memref<16x512xf32, #tpu.memory_space<vmem>>, vector<1x16xf32>,
        %get3A_175 = vector.shape_cast %get3A_174 : vector<1x16xf32> to vector<16xf32>
        %add3A_176 = arith.addf %add3A_170, %get3A_175 : vector<16xf32>
        %get3A_177 = arith.constant 13 : i32
        %get3A_178 = arith.index_cast %get3A_177 : i32 to index
        %get3A_179 = arith.index_cast %mul3A_100 : i32 to index
        %get3A_180 = tpu.vector_load %arg11[%get3A_178, %get3A_179] {strides = array<i32>} : memref<16x512xf32, #tpu.memory_space<vmem>>, vector<1x16xf32>,
        %get3A_181 = vector.shape_cast %get3A_180 : vector<1x16xf32> to vector<16xf32>
        %add3A_182 = arith.addf %add3A_176, %get3A_181 : vector<16xf32>
        %get3A_183 = arith.constant 14 : i32
        %get3A_184 = arith.index_cast %get3A_183 : i32 to index
        %get3A_185 = arith.index_cast %mul3A_100 : i32 to index
        %get3A_186 = tpu.vector_load %arg11[%get3A_184, %get3A_185] {strides = array<i32>} : memref<16x512xf32, #tpu.memory_space<vmem>>, vector<1x16xf32>,
        %get3A_187 = vector.shape_cast %get3A_186 : vector<1x16xf32> to vector<16xf32>
        %add3A_188 = arith.addf %add3A_182, %get3A_187 : vector<16xf32>
        %get3A_189 = arith.constant 15 : i32
        %get3A_190 = arith.index_cast %get3A_189 : i32 to index
        %get3A_191 = arith.index_cast %mul3A_100 : i32 to index
        %get3A_192 = tpu.vector_load %arg11[%get3A_190, %get3A_191] {strides = array<i32>} : memref<16x512xf32, #tpu.memory_space<vmem>>, vector<1x16xf32>,
        %get3A_193 = vector.shape_cast %get3A_192 : vector<1x16xf32> to vector<16xf32>
        %add3A_194 = arith.addf %add3A_188, %get3A_193 : vector<16xf32>
        %mul3A_195 = vector.broadcast %scan3A_52 : f32 to vector<16xf32>
        %mul3A_196 = arith.mulf %add3A_194, %mul3A_195 : vector<16xf32>
        %swap3A = arith.index_cast %add3A_63 : i32 to index
        %swap3A_197 = arith.index_cast %mul3A_100 : i32 to index
        %swap3A_198 = tpu.vector_load %arg9[%swap3A, %swap3A_197] {strides = array<i32>} : memref<128x512xf32, #tpu.memory_space<vmem>>, vector<1x16xf32>,
        %swap3A_199 = vector.shape_cast %swap3A_198 : vector<1x16xf32> to vector<16xf32>
        %swap3A_200 = vector.shape_cast %mul3A_196 : vector<16xf32> to vector<1x16xf32>
        tpu.vector_store %arg9[%swap3A, %swap3A_197], %swap3A_200 {strides = array<i32>} : memref<128x512xf32, #tpu.memory_space<vmem>>, vector<1x16xf32>,
      }
      %scan3A_97 = arith.constant 32 : i32
    }
    %scan3A_57 = arith.constant 64 : i32
    %run_scoped3A_58 = arith.constant 2 : i32
    "tpu.region"() ({
      %run_scoped3A_59 = tpu.sem_alloc : memref<!tpu.dma_semaphore, #tpu.memory_space<semaphore_mem>>
      %dma_start3A_60 = arith.constant 0 : i32
      %dma_start3A_61 = arith.constant 0 : i32
      %dma_start3A_62 = tpu.memref_slice %arg6[%run_scoped3A_58, %dma_start3A_60, %dma_start3A_61] : memref<3x4096x512xf32, #tpu.memory_space<hbm>> -> memref<1x4096x512xf32, #tpu.memory_space<hbm>>
      %dma_start3A_63 = tpu.memref_squeeze %dma_start3A_62 : memref<1x4096x512xf32, #tpu.memory_space<hbm>> -> memref<4096x512xf32, #tpu.memory_space<hbm>>
      %dma_start3A_64 = arith.constant 0 : i32
      %dma_start3A_65 = tpu.memref_slice %dma_start3A_63[%mul3A_2, %dma_start3A_64] : memref<4096x512xf32, #tpu.memory_space<hbm>> -> memref<128x512xf32, #tpu.memory_space<hbm>>
      %dma_start3A_66 = arith.constant 0 : i32
      %dma_start3A_67 = arith.constant 0 : i32
      %dma_start3A_68 = tpu.memref_slice %arg6[%run_scoped3A_58, %dma_start3A_66, %dma_start3A_67] : memref<3x4096x512xf32, #tpu.memory_space<hbm>> -> memref<1x4096x512xf32, #tpu.memory_space<hbm>>
      %dma_start3A_69 = tpu.memref_squeeze %dma_start3A_68 : memref<1x4096x512xf32, #tpu.memory_space<hbm>> -> memref<4096x512xf32, #tpu.memory_space<hbm>>
      %dma_start3A_70 = arith.constant 0 : i32
      %dma_start3A_71 = tpu.memref_slice %dma_start3A_69[%mul3A_2, %dma_start3A_70] : memref<4096x512xf32, #tpu.memory_space<hbm>> -> memref<128x512xf32, #tpu.memory_space<hbm>>
      tpu.enqueue_dma source(%arg9 : memref<128x512xf32, #tpu.memory_space<vmem>>) target(%dma_start3A_71 : memref<128x512xf32, #tpu.memory_space<hbm>>) target_semaphore(%run_scoped3A_59 : memref<!tpu.dma_semaphore, #tpu.memory_space<semaphore_mem>>)
      %dma_wait3A_72 = arith.constant 0 : i32
      %dma_wait3A_73 = arith.constant 0 : i32
      %dma_wait3A_74 = tpu.memref_slice %arg6[%run_scoped3A_58, %dma_wait3A_72, %dma_wait3A_73] : memref<3x4096x512xf32, #tpu.memory_space<hbm>> -> memref<1x4096x512xf32, #tpu.memory_space<hbm>>
      %dma_wait3A_75 = tpu.memref_squeeze %dma_wait3A_74 : memref<1x4096x512xf32, #tpu.memory_space<hbm>> -> memref<4096x512xf32, #tpu.memory_space<hbm>>
      %dma_wait3A_76 = arith.constant 0 : i32
      %dma_wait3A_77 = tpu.memref_slice %dma_wait3A_75[%mul3A_2, %dma_wait3A_76] : memref<4096x512xf32, #tpu.memory_space<hbm>> -> memref<128x512xf32, #tpu.memory_space<hbm>>
      %dma_wait3A_78 = arith.constant 0 : i32
      %dma_wait3A_79 = arith.constant 0 : i32
      %dma_wait3A_80 = tpu.memref_slice %arg6[%run_scoped3A_58, %dma_wait3A_78, %dma_wait3A_79] : memref<3x4096x512xf32, #tpu.memory_space<hbm>> -> memref<1x4096x512xf32, #tpu.memory_space<hbm>>
      %dma_wait3A_81 = tpu.memref_squeeze %dma_wait3A_80 : memref<1x4096x512xf32, #tpu.memory_space<hbm>> -> memref<4096x512xf32, #tpu.memory_space<hbm>>
      %dma_wait3A_82 = arith.constant 0 : i32
      %dma_wait3A_83 = tpu.memref_slice %dma_wait3A_81[%mul3A_2, %dma_wait3A_82] : memref<4096x512xf32, #tpu.memory_space<hbm>> -> memref<128x512xf32, #tpu.memory_space<hbm>>
      tpu.wait_dma2 semaphore(%run_scoped3A_59 : memref<!tpu.dma_semaphore, #tpu.memory_space<semaphore_mem>>) src(%arg9 : memref<128x512xf32, #tpu.memory_space<vmem>>) dst(%dma_wait3A_83 : memref<128x512xf32, #tpu.memory_space<hbm>>)
      tpu.yield
    }) : () -> ()
    return
  }
}

module attributes {stable_mosaic.version = 14 : i64} {
  func.func @body(%arg0: i32, %arg1: memref<512x512xf32, #tpu.memory_space<vmem>>, %arg2: memref<3x512x512xf32, #tpu.memory_space<vmem>>, %arg3: memref<3x512x512xf32, #tpu.memory_space<vmem>>, %arg4: memref<3x512x512xf32, #tpu.memory_space<vmem>>, %arg5: memref<512x128xf32, #tpu.memory_space<vmem>>, %arg6: memref<1x128xf32, #tpu.memory_space<vmem>>, %arg7: memref<128x1xf32, #tpu.memory_space<vmem>>, %arg8: memref<3x512x512xf32, #tpu.memory_space<vmem>>, %arg9: memref<8x128xf32, #tpu.memory_space<vmem>>) attributes {dimension_semantics = [#tpu.dimension_semantics<arbitrary>], iteration_bounds = array<i64: 8>, scalar_prefetch = 0 : i64, scratch_operands = 0 : i64, tpu.core_type = #tpu.core_type<tc>, window_params = [{transform_indices = @transform_0, window_bounds = array<i64: 512, 512>}, {transform_indices = @transform_1, window_bounds = array<i64: 3, 512, 512>}, {pipeline_mode = #tpu.pipeline_mode<synchronous>, transform_indices = @transform_2, window_bounds = array<i64: 3, 512, 512>}, {pipeline_mode = #tpu.pipeline_mode<synchronous>, transform_indices = @transform_3, window_bounds = array<i64: 3, 512, 512>}, {pipeline_mode = #tpu.pipeline_mode<synchronous>, transform_indices = @transform_4, window_bounds = array<i64: 512, 128>}, {pipeline_mode = #tpu.pipeline_mode<synchronous>, transform_indices = @transform_5, window_bounds = array<i64: 1, 128>}, {pipeline_mode = #tpu.pipeline_mode<synchronous>, transform_indices = @transform_6, window_bounds = array<i64: 128, 1>}, {transform_indices = @transform_7, window_bounds = array<i64: 3, 512, 512>}, {pipeline_mode = #tpu.pipeline_mode<synchronous>, transform_indices = @transform_8, window_bounds = array<i64: 8, 128>}]} {
    %get3A = arith.constant 0 : index
    %get3A_0 = arith.constant 0 : index
    %get3A_1 = vector.load %arg1[%get3A, %get3A_0] : memref<512x512xf32, #tpu.memory_space<vmem>>, vector<512x512xf32>
    %iota3A = tpu.iota {dimensions = array<i32: 1>} : vector<1x128xi32>
    %broadcast_in_dim3A = arith.constant 0.000000e+00 : f32
    %broadcast_in_dim3A_2 = vector.broadcast %broadcast_in_dim3A : f32 to vector<1x128xf32>
    %get3A_3 = arith.constant 0 : index
    %get3A_4 = arith.constant 0 : index
    %get3A_5 = arith.constant 0 : index
    %get3A_6 = vector.load %arg3[%get3A_3, %get3A_4, %get3A_5] : memref<3x512x512xf32, #tpu.memory_space<vmem>>, vector<1x512x512xf32>
    %get3A_7 = vector.shape_cast %get3A_6 : vector<1x512x512xf32> to vector<512x512xf32>
    %dot_general3A = arith.constant dense<0.000000e+00> : vector<512x512xf32>
    %dot_general3A_8 = tpu.matmul %get3A_1, %get3A_7, %dot_general3A {dimension_numbers = #tpu.dot_dimension_numbers<[1], [0], [0], [1], [0, 0, 1, 1], [], []>, transpose_lhs_hint = false} : vector<512x512xf32>, vector<512x512xf32>, vector<512x512xf32> -> vector<512x512xf32>
    %get3A_9 = arith.constant 0 : index
    %get3A_10 = arith.constant 0 : index
    %get3A_11 = arith.constant 0 : index
    %get3A_12 = vector.load %arg2[%get3A_9, %get3A_10, %get3A_11] : memref<3x512x512xf32, #tpu.memory_space<vmem>>, vector<1x512x512xf32>
    %get3A_13 = vector.shape_cast %get3A_12 : vector<1x512x512xf32> to vector<512x512xf32>
    %get3A_14 = arith.constant 0 : index
    %get3A_15 = arith.constant 0 : index
    %get3A_16 = arith.constant 0 : index
    %get3A_17 = vector.load %arg4[%get3A_14, %get3A_15, %get3A_16] : memref<3x512x512xf32, #tpu.memory_space<vmem>>, vector<1x512x512xf32>
    %get3A_18 = vector.shape_cast %get3A_17 : vector<1x512x512xf32> to vector<512x512xf32>
    %dot_general3A_19 = arith.constant dense<0.000000e+00> : vector<512x512xf32>
    %dot_general3A_20 = tpu.matmul %get3A_13, %get3A_18, %dot_general3A_19 {dimension_numbers = #tpu.dot_dimension_numbers<[1], [0], [0], [1], [0, 0, 1, 1], [], []>, transpose_lhs_hint = false} : vector<512x512xf32>, vector<512x512xf32>, vector<512x512xf32> -> vector<512x512xf32>
    %add3A = arith.addf %dot_general3A_8, %dot_general3A_20 : vector<512x512xf32>
    %max3A = arith.constant 0.000000e+00 : f32
    %max3A_21 = vector.broadcast %max3A : f32 to vector<512x512xf32>
    %max3A_22 = arith.maximumf %add3A, %max3A_21 : vector<512x512xf32>
    %swap3A = arith.constant 0 : index
    %swap3A_23 = arith.constant 0 : index
    %swap3A_24 = arith.constant 0 : index
    %swap3A_25 = vector.load %arg8[%swap3A, %swap3A_23, %swap3A_24] : memref<3x512x512xf32, #tpu.memory_space<vmem>>, vector<1x512x512xf32>
    %swap3A_26 = vector.shape_cast %swap3A_25 : vector<1x512x512xf32> to vector<512x512xf32>
    %swap3A_27 = vector.shape_cast %max3A_22 : vector<512x512xf32> to vector<1x512x512xf32>
    tpu.vector_store %arg8[%swap3A, %swap3A_23, %swap3A_24], %swap3A_27 {strides = array<i32>} : memref<3x512x512xf32, #tpu.memory_space<vmem>>, vector<1x512x512xf32>,
    %get3A_28 = arith.constant 0 : index
    %get3A_29 = arith.constant 0 : index
    %get3A_30 = vector.load %arg5[%get3A_28, %get3A_29] : memref<512x128xf32, #tpu.memory_space<vmem>>, vector<512x128xf32>
    %dot_general3A_31 = arith.constant dense<0.000000e+00> : vector<512x128xf32>
    %dot_general3A_32 = tpu.matmul %max3A_22, %get3A_30, %dot_general3A_31 {dimension_numbers = #tpu.dot_dimension_numbers<[1], [0], [0], [1], [0, 0, 1, 1], [], []>, transpose_lhs_hint = false} : vector<512x512xf32>, vector<512x128xf32>, vector<512x128xf32> -> vector<512x128xf32>
    %get3A_33 = arith.constant 0 : index
    %get3A_34 = arith.constant 0 : index
    %get3A_35 = vector.load %arg6[%get3A_33, %get3A_34] : memref<1x128xf32, #tpu.memory_space<vmem>>, vector<1x128xf32>
    %add3A_36 = vector.broadcast %get3A_35 : vector<1x128xf32> to vector<512x128xf32>
    %add3A_37 = arith.addf %dot_general3A_32, %add3A_36 : vector<512x128xf32>
    %tanh3A = math.tanh %add3A_37 : vector<512x128xf32>
    %get3A_38 = arith.constant 0 : index
    %get3A_39 = arith.constant 0 : index
    %get3A_40 = vector.load %arg7[%get3A_38, %get3A_39] : memref<128x1xf32, #tpu.memory_space<vmem>>, vector<128x1xf32>
    %dot_general3A_41 = arith.constant dense<0.000000e+00> : vector<512x1xf32>
    %dot_general3A_42 = tpu.matmul %tanh3A, %get3A_40, %dot_general3A_41 {dimension_numbers = #tpu.dot_dimension_numbers<[1], [0], [0], [1], [0, 0, 1, 1], [], []>, transpose_lhs_hint = false} : vector<512x128xf32>, vector<128x1xf32>, vector<512x1xf32> -> vector<512x1xf32>
    %reduce_sum3A = vector.shape_cast %dot_general3A_42 : vector<512x1xf32> to vector<1x512x1xf32>
    %reduce_sum3A_43 = arith.constant dense<0.000000e+00> : vector<1xf32>
    %reduce_sum3A_44 = vector.multi_reduction <add>, %reduce_sum3A, %reduce_sum3A_43 [1, 2] : vector<1x512x1xf32> to vector<1xf32>
    %reduce_sum3A_45 = vector.shape_cast %reduce_sum3A_44 : vector<1xf32> to vector<1x1x1xf32>
    %reduce_sum3A_46 = vector.extract %reduce_sum3A_45[0, 0, 0] : f32 from vector<1x1x1xf32>
    %eq3A = arith.constant 0 : i32
    %eq3A_47 = vector.broadcast %eq3A : i32 to vector<1x128xi32>
    %eq3A_48 = arith.cmpi eq, %iota3A, %eq3A_47 : vector<1x128xi32>
    %jit3A = arith.constant 0.000000e+00 : f32
    %broadcast_in_dim3A_49 = vector.broadcast %reduce_sum3A_46 : f32 to vector<1x128xf32>
    %broadcast_in_dim3A_50 = vector.broadcast %jit3A : f32 to vector<1x128xf32>
    %select_n3A = arith.select %eq3A_48, %broadcast_in_dim3A_49, %broadcast_in_dim3A_50 : vector<1x128xi1>, vector<1x128xf32>
    %add3A_51 = arith.addf %broadcast_in_dim3A_2, %select_n3A : vector<1x128xf32>
    %get3A_52 = arith.constant 1 : index
    %get3A_53 = arith.constant 0 : index
    %get3A_54 = arith.constant 0 : index
    %get3A_55 = vector.load %arg3[%get3A_52, %get3A_53, %get3A_54] : memref<3x512x512xf32, #tpu.memory_space<vmem>>, vector<1x512x512xf32>
    %get3A_56 = vector.shape_cast %get3A_55 : vector<1x512x512xf32> to vector<512x512xf32>
    %dot_general3A_57 = arith.constant dense<0.000000e+00> : vector<512x512xf32>
    %dot_general3A_58 = tpu.matmul %get3A_1, %get3A_56, %dot_general3A_57 {dimension_numbers = #tpu.dot_dimension_numbers<[1], [0], [0], [1], [0, 0, 1, 1], [], []>, transpose_lhs_hint = false} : vector<512x512xf32>, vector<512x512xf32>, vector<512x512xf32> -> vector<512x512xf32>
    %get3A_59 = arith.constant 1 : index
    %get3A_60 = arith.constant 0 : index
    %get3A_61 = arith.constant 0 : index
    %get3A_62 = vector.load %arg2[%get3A_59, %get3A_60, %get3A_61] : memref<3x512x512xf32, #tpu.memory_space<vmem>>, vector<1x512x512xf32>
    %get3A_63 = vector.shape_cast %get3A_62 : vector<1x512x512xf32> to vector<512x512xf32>
    %get3A_64 = arith.constant 1 : index
    %get3A_65 = arith.constant 0 : index
    %get3A_66 = arith.constant 0 : index
    %get3A_67 = vector.load %arg4[%get3A_64, %get3A_65, %get3A_66] : memref<3x512x512xf32, #tpu.memory_space<vmem>>, vector<1x512x512xf32>
    %get3A_68 = vector.shape_cast %get3A_67 : vector<1x512x512xf32> to vector<512x512xf32>
    %dot_general3A_69 = arith.constant dense<0.000000e+00> : vector<512x512xf32>
    %dot_general3A_70 = tpu.matmul %get3A_63, %get3A_68, %dot_general3A_69 {dimension_numbers = #tpu.dot_dimension_numbers<[1], [0], [0], [1], [0, 0, 1, 1], [], []>, transpose_lhs_hint = false} : vector<512x512xf32>, vector<512x512xf32>, vector<512x512xf32> -> vector<512x512xf32>
    %add3A_71 = arith.addf %dot_general3A_58, %dot_general3A_70 : vector<512x512xf32>
    %max3A_72 = arith.constant 0.000000e+00 : f32
    %max3A_73 = vector.broadcast %max3A_72 : f32 to vector<512x512xf32>
    %max3A_74 = arith.maximumf %add3A_71, %max3A_73 : vector<512x512xf32>
    %swap3A_75 = arith.constant 1 : index
    %swap3A_76 = arith.constant 0 : index
    %swap3A_77 = arith.constant 0 : index
    %swap3A_78 = vector.load %arg8[%swap3A_75, %swap3A_76, %swap3A_77] : memref<3x512x512xf32, #tpu.memory_space<vmem>>, vector<1x512x512xf32>
    %swap3A_79 = vector.shape_cast %swap3A_78 : vector<1x512x512xf32> to vector<512x512xf32>
    %swap3A_80 = vector.shape_cast %max3A_74 : vector<512x512xf32> to vector<1x512x512xf32>
    tpu.vector_store %arg8[%swap3A_75, %swap3A_76, %swap3A_77], %swap3A_80 {strides = array<i32>} : memref<3x512x512xf32, #tpu.memory_space<vmem>>, vector<1x512x512xf32>,
    %get3A_81 = arith.constant 0 : index
    %get3A_82 = arith.constant 0 : index
    %get3A_83 = vector.load %arg5[%get3A_81, %get3A_82] : memref<512x128xf32, #tpu.memory_space<vmem>>, vector<512x128xf32>
    %dot_general3A_84 = arith.constant dense<0.000000e+00> : vector<512x128xf32>
    %dot_general3A_85 = tpu.matmul %max3A_74, %get3A_83, %dot_general3A_84 {dimension_numbers = #tpu.dot_dimension_numbers<[1], [0], [0], [1], [0, 0, 1, 1], [], []>, transpose_lhs_hint = false} : vector<512x512xf32>, vector<512x128xf32>, vector<512x128xf32> -> vector<512x128xf32>
    %get3A_86 = arith.constant 0 : index
    %get3A_87 = arith.constant 0 : index
    %get3A_88 = vector.load %arg6[%get3A_86, %get3A_87] : memref<1x128xf32, #tpu.memory_space<vmem>>, vector<1x128xf32>
    %add3A_89 = vector.broadcast %get3A_88 : vector<1x128xf32> to vector<512x128xf32>
    %add3A_90 = arith.addf %dot_general3A_85, %add3A_89 : vector<512x128xf32>
    %tanh3A_91 = math.tanh %add3A_90 : vector<512x128xf32>
    %get3A_92 = arith.constant 0 : index
    %get3A_93 = arith.constant 0 : index
    %get3A_94 = vector.load %arg7[%get3A_92, %get3A_93] : memref<128x1xf32, #tpu.memory_space<vmem>>, vector<128x1xf32>
    %dot_general3A_95 = arith.constant dense<0.000000e+00> : vector<512x1xf32>
    %dot_general3A_96 = tpu.matmul %tanh3A_91, %get3A_94, %dot_general3A_95 {dimension_numbers = #tpu.dot_dimension_numbers<[1], [0], [0], [1], [0, 0, 1, 1], [], []>, transpose_lhs_hint = false} : vector<512x128xf32>, vector<128x1xf32>, vector<512x1xf32> -> vector<512x1xf32>
    %reduce_sum3A_97 = vector.shape_cast %dot_general3A_96 : vector<512x1xf32> to vector<1x512x1xf32>
    %reduce_sum3A_98 = arith.constant dense<0.000000e+00> : vector<1xf32>
    %reduce_sum3A_99 = vector.multi_reduction <add>, %reduce_sum3A_97, %reduce_sum3A_98 [1, 2] : vector<1x512x1xf32> to vector<1xf32>
    %reduce_sum3A_100 = vector.shape_cast %reduce_sum3A_99 : vector<1xf32> to vector<1x1x1xf32>
    %reduce_sum3A_101 = vector.extract %reduce_sum3A_100[0, 0, 0] : f32 from vector<1x1x1xf32>
    %eq3A_102 = arith.constant 1 : i32
    %eq3A_103 = vector.broadcast %eq3A_102 : i32 to vector<1x128xi32>
    %eq3A_104 = arith.cmpi eq, %iota3A, %eq3A_103 : vector<1x128xi32>
    %jit3A_105 = arith.constant 0.000000e+00 : f32
    %broadcast_in_dim3A_106 = vector.broadcast %reduce_sum3A_101 : f32 to vector<1x128xf32>
    %broadcast_in_dim3A_107 = vector.broadcast %jit3A_105 : f32 to vector<1x128xf32>
    %select_n3A_108 = arith.select %eq3A_104, %broadcast_in_dim3A_106, %broadcast_in_dim3A_107 : vector<1x128xi1>, vector<1x128xf32>
    %add3A_109 = arith.addf %add3A_51, %select_n3A_108 : vector<1x128xf32>
    %get3A_110 = arith.constant 2 : index
    %get3A_111 = arith.constant 0 : index
    %get3A_112 = arith.constant 0 : index
    %get3A_113 = vector.load %arg3[%get3A_110, %get3A_111, %get3A_112] : memref<3x512x512xf32, #tpu.memory_space<vmem>>, vector<1x512x512xf32>
    %get3A_114 = vector.shape_cast %get3A_113 : vector<1x512x512xf32> to vector<512x512xf32>
    %dot_general3A_115 = arith.constant dense<0.000000e+00> : vector<512x512xf32>
    %dot_general3A_116 = tpu.matmul %get3A_1, %get3A_114, %dot_general3A_115 {dimension_numbers = #tpu.dot_dimension_numbers<[1], [0], [0], [1], [0, 0, 1, 1], [], []>, transpose_lhs_hint = false} : vector<512x512xf32>, vector<512x512xf32>, vector<512x512xf32> -> vector<512x512xf32>
    %get3A_117 = arith.constant 2 : index
    %get3A_118 = arith.constant 0 : index
    %get3A_119 = arith.constant 0 : index
    %get3A_120 = vector.load %arg2[%get3A_117, %get3A_118, %get3A_119] : memref<3x512x512xf32, #tpu.memory_space<vmem>>, vector<1x512x512xf32>
    %get3A_121 = vector.shape_cast %get3A_120 : vector<1x512x512xf32> to vector<512x512xf32>
    %get3A_122 = arith.constant 2 : index
    %get3A_123 = arith.constant 0 : index
    %get3A_124 = arith.constant 0 : index
    %get3A_125 = vector.load %arg4[%get3A_122, %get3A_123, %get3A_124] : memref<3x512x512xf32, #tpu.memory_space<vmem>>, vector<1x512x512xf32>
    %get3A_126 = vector.shape_cast %get3A_125 : vector<1x512x512xf32> to vector<512x512xf32>
    %dot_general3A_127 = arith.constant dense<0.000000e+00> : vector<512x512xf32>
    %dot_general3A_128 = tpu.matmul %get3A_121, %get3A_126, %dot_general3A_127 {dimension_numbers = #tpu.dot_dimension_numbers<[1], [0], [0], [1], [0, 0, 1, 1], [], []>, transpose_lhs_hint = false} : vector<512x512xf32>, vector<512x512xf32>, vector<512x512xf32> -> vector<512x512xf32>
    %add3A_129 = arith.addf %dot_general3A_116, %dot_general3A_128 : vector<512x512xf32>
    %max3A_130 = arith.constant 0.000000e+00 : f32
    %max3A_131 = vector.broadcast %max3A_130 : f32 to vector<512x512xf32>
    %max3A_132 = arith.maximumf %add3A_129, %max3A_131 : vector<512x512xf32>
    %swap3A_133 = arith.constant 2 : index
    %swap3A_134 = arith.constant 0 : index
    %swap3A_135 = arith.constant 0 : index
    %swap3A_136 = vector.load %arg8[%swap3A_133, %swap3A_134, %swap3A_135] : memref<3x512x512xf32, #tpu.memory_space<vmem>>, vector<1x512x512xf32>
    %swap3A_137 = vector.shape_cast %swap3A_136 : vector<1x512x512xf32> to vector<512x512xf32>
    %swap3A_138 = vector.shape_cast %max3A_132 : vector<512x512xf32> to vector<1x512x512xf32>
    tpu.vector_store %arg8[%swap3A_133, %swap3A_134, %swap3A_135], %swap3A_138 {strides = array<i32>} : memref<3x512x512xf32, #tpu.memory_space<vmem>>, vector<1x512x512xf32>,
    %get3A_139 = arith.constant 0 : index
    %get3A_140 = arith.constant 0 : index
    %get3A_141 = vector.load %arg5[%get3A_139, %get3A_140] : memref<512x128xf32, #tpu.memory_space<vmem>>, vector<512x128xf32>
    %dot_general3A_142 = arith.constant dense<0.000000e+00> : vector<512x128xf32>
    %dot_general3A_143 = tpu.matmul %max3A_132, %get3A_141, %dot_general3A_142 {dimension_numbers = #tpu.dot_dimension_numbers<[1], [0], [0], [1], [0, 0, 1, 1], [], []>, transpose_lhs_hint = false} : vector<512x512xf32>, vector<512x128xf32>, vector<512x128xf32> -> vector<512x128xf32>
    %get3A_144 = arith.constant 0 : index
    %get3A_145 = arith.constant 0 : index
    %get3A_146 = vector.load %arg6[%get3A_144, %get3A_145] : memref<1x128xf32, #tpu.memory_space<vmem>>, vector<1x128xf32>
    %add3A_147 = vector.broadcast %get3A_146 : vector<1x128xf32> to vector<512x128xf32>
    %add3A_148 = arith.addf %dot_general3A_143, %add3A_147 : vector<512x128xf32>
    %tanh3A_149 = math.tanh %add3A_148 : vector<512x128xf32>
    %get3A_150 = arith.constant 0 : index
    %get3A_151 = arith.constant 0 : index
    %get3A_152 = vector.load %arg7[%get3A_150, %get3A_151] : memref<128x1xf32, #tpu.memory_space<vmem>>, vector<128x1xf32>
    %dot_general3A_153 = arith.constant dense<0.000000e+00> : vector<512x1xf32>
    %dot_general3A_154 = tpu.matmul %tanh3A_149, %get3A_152, %dot_general3A_153 {dimension_numbers = #tpu.dot_dimension_numbers<[1], [0], [0], [1], [0, 0, 1, 1], [], []>, transpose_lhs_hint = false} : vector<512x128xf32>, vector<128x1xf32>, vector<512x1xf32> -> vector<512x1xf32>
    %reduce_sum3A_155 = vector.shape_cast %dot_general3A_154 : vector<512x1xf32> to vector<1x512x1xf32>
    %reduce_sum3A_156 = arith.constant dense<0.000000e+00> : vector<1xf32>
    %reduce_sum3A_157 = vector.multi_reduction <add>, %reduce_sum3A_155, %reduce_sum3A_156 [1, 2] : vector<1x512x1xf32> to vector<1xf32>
    %reduce_sum3A_158 = vector.shape_cast %reduce_sum3A_157 : vector<1xf32> to vector<1x1x1xf32>
    %reduce_sum3A_159 = vector.extract %reduce_sum3A_158[0, 0, 0] : f32 from vector<1x1x1xf32>
    %eq3A_160 = arith.constant 2 : i32
    %eq3A_161 = vector.broadcast %eq3A_160 : i32 to vector<1x128xi32>
    %eq3A_162 = arith.cmpi eq, %iota3A, %eq3A_161 : vector<1x128xi32>
    %jit3A_163 = arith.constant 0.000000e+00 : f32
    %broadcast_in_dim3A_164 = vector.broadcast %reduce_sum3A_159 : f32 to vector<1x128xf32>
    %broadcast_in_dim3A_165 = vector.broadcast %jit3A_163 : f32 to vector<1x128xf32>
    %select_n3A_166 = arith.select %eq3A_162, %broadcast_in_dim3A_164, %broadcast_in_dim3A_165 : vector<1x128xi1>, vector<1x128xf32>
    %add3A_167 = arith.addf %add3A_109, %select_n3A_166 : vector<1x128xf32>
    %swap3A_168 = arith.index_cast %arg0 : i32 to index
    %swap3A_169 = arith.constant 0 : index
    %swap3A_170 = vector.load %arg9[%swap3A_168, %swap3A_169] : memref<8x128xf32, #tpu.memory_space<vmem>>, vector<1x128xf32>
    tpu.vector_store %arg9[%swap3A_168, %swap3A_169], %add3A_167 {strides = array<i32>} : memref<8x128xf32, #tpu.memory_space<vmem>>, vector<1x128xf32>,
    return
  }
  func.func @transform_0(%arg0: i32) -> (i32, i32) {
    %c0_i32 = arith.constant 0 : i32
    %c0_i32_0 = arith.constant 0 : i32
    return %arg0, %c0_i32 : i32, i32
  }
  func.func @transform_1(%arg0: i32) -> (i32, i32, i32) {
    %c0_i32 = arith.constant 0 : i32
    %c0_i32_0 = arith.constant 0 : i32
    %c0_i32_1 = arith.constant 0 : i32
    return %c0_i32, %arg0, %c0_i32_0 : i32, i32, i32
  }
  func.func @transform_2(%arg0: i32) -> (i32, i32, i32) {
    %c0_i32 = arith.constant 0 : i32
    %c0_i32_0 = arith.constant 0 : i32
    %c0_i32_1 = arith.constant 0 : i32
    %c0_i32_2 = arith.constant 0 : i32
    return %c0_i32, %c0_i32_0, %c0_i32_1 : i32, i32, i32
  }
  func.func @transform_3(%arg0: i32) -> (i32, i32, i32) {
    %c0_i32 = arith.constant 0 : i32
    %c0_i32_0 = arith.constant 0 : i32
    %c0_i32_1 = arith.constant 0 : i32
    %c0_i32_2 = arith.constant 0 : i32
    return %c0_i32, %c0_i32_0, %c0_i32_1 : i32, i32, i32
  }
  func.func @transform_4(%arg0: i32) -> (i32, i32) {
    %c0_i32 = arith.constant 0 : i32
    %c0_i32_0 = arith.constant 0 : i32
    %c0_i32_1 = arith.constant 0 : i32
    return %c0_i32, %c0_i32_0 : i32, i32
  }
  func.func @transform_5(%arg0: i32) -> (i32, i32) {
    %c0_i32 = arith.constant 0 : i32
    %c0_i32_0 = arith.constant 0 : i32
    %c0_i32_1 = arith.constant 0 : i32
    return %c0_i32, %c0_i32_0 : i32, i32
  }
  func.func @transform_6(%arg0: i32) -> (i32, i32) {
    %c0_i32 = arith.constant 0 : i32
    %c0_i32_0 = arith.constant 0 : i32
    %c0_i32_1 = arith.constant 0 : i32
    return %c0_i32, %c0_i32_0 : i32, i32
  }
  func.func @transform_7(%arg0: i32) -> (i32, i32, i32) {
    %c0_i32 = arith.constant 0 : i32
    %c0_i32_0 = arith.constant 0 : i32
    %c0_i32_1 = arith.constant 0 : i32
    return %c0_i32, %arg0, %c0_i32_0 : i32, i32, i32
  }
  func.func @transform_8(%arg0: i32) -> (i32, i32) {
    %c0_i32 = arith.constant 0 : i32
    %c0_i32_0 = arith.constant 0 : i32
    %c0_i32_1 = arith.constant 0 : i32
    return %c0_i32, %c0_i32_0 : i32, i32
  }
}

module attributes {stable_mosaic.version = 14 : i64} {
  func.func @body(%arg0: i32, %arg1: memref<8x128xf32, #tpu.memory_space<vmem>>, %arg2: memref<3x512x512xf32, #tpu.memory_space<vmem>>, %arg3: memref<512x512xf32, #tpu.memory_space<vmem>>) attributes {dimension_semantics = [#tpu.dimension_semantics<arbitrary>], iteration_bounds = array<i64: 8>, scalar_prefetch = 0 : i64, scratch_operands = 0 : i64, tpu.core_type = #tpu.core_type<tc>, window_params = [{pipeline_mode = #tpu.pipeline_mode<synchronous>, transform_indices = @transform_0, window_bounds = array<i64: 8, 128>}, {transform_indices = @transform_1, window_bounds = array<i64: 3, 512, 512>}, {transform_indices = @transform_2, window_bounds = array<i64: 512, 512>}]} {
    %get3A = arith.constant 0 : index
    %get3A_0 = arith.constant 0 : index
    %get3A_1 = vector.load %arg1[%get3A, %get3A_0] : memref<8x128xf32, #tpu.memory_space<vmem>>, vector<8x128xf32>
    %reduce_sum3A = arith.constant dense<0.000000e+00> : vector<128xf32>
    %reduce_sum3A_2 = vector.multi_reduction <add>, %get3A_1, %reduce_sum3A [0] : vector<8x128xf32> to vector<128xf32>
    %broadcast_in_dim3A = vector.shape_cast %reduce_sum3A_2 : vector<128xf32> to vector<1x128xf32>
    %iota3A = tpu.iota {dimensions = array<i32: 1>} : vector<1x128xi32>
    %lt3A = arith.constant 3 : i32
    %lt3A_3 = vector.broadcast %lt3A : i32 to vector<1x128xi32>
    %lt3A_4 = arith.cmpi slt, %iota3A, %lt3A_3 : vector<1x128xi32>
    %mul3A = arith.constant 2.44140625E-4 : f32
    %mul3A_5 = vector.broadcast %mul3A : f32 to vector<1x128xf32>
    %mul3A_6 = arith.mulf %broadcast_in_dim3A, %mul3A_5 : vector<1x128xf32>
    %jit3A = arith.constant 0xFF800000 : f32
    %broadcast_in_dim3A_7 = vector.broadcast %jit3A : f32 to vector<1x128xf32>
    %select_n3A = arith.select %lt3A_4, %mul3A_6, %broadcast_in_dim3A_7 : vector<1x128xi1>, vector<1x128xf32>
    %reduce_max3A = vector.shape_cast %select_n3A : vector<1x128xf32> to vector<1x1x128xf32>
    %reduce_max3A_8 = arith.constant dense<0xFF800000> : vector<1xf32>
    %reduce_max3A_9 = vector.multi_reduction <maximumf>, %reduce_max3A, %reduce_max3A_8 [1, 2] : vector<1x1x128xf32> to vector<1xf32>
    %reduce_max3A_10 = vector.shape_cast %reduce_max3A_9 : vector<1xf32> to vector<1x1x1xf32>
    %reduce_max3A_11 = vector.extract %reduce_max3A_10[0, 0, 0] : f32 from vector<1x1x1xf32>
    %sub3A = vector.broadcast %reduce_max3A_11 : f32 to vector<1x128xf32>
    %sub3A_12 = arith.subf %select_n3A, %sub3A : vector<1x128xf32>
    %exp3A = math.exp %sub3A_12 : vector<1x128xf32>
    %jit3A_13 = arith.constant 0.000000e+00 : f32
    %broadcast_in_dim3A_14 = vector.broadcast %jit3A_13 : f32 to vector<1x128xf32>
    %select_n3A_15 = arith.select %lt3A_4, %exp3A, %broadcast_in_dim3A_14 : vector<1x128xi1>, vector<1x128xf32>
    %reduce_sum3A_16 = vector.shape_cast %select_n3A_15 : vector<1x128xf32> to vector<1x1x128xf32>
    %reduce_sum3A_17 = arith.constant dense<0.000000e+00> : vector<1xf32>
    %reduce_sum3A_18 = vector.multi_reduction <add>, %reduce_sum3A_16, %reduce_sum3A_17 [1, 2] : vector<1x1x128xf32> to vector<1xf32>
    %reduce_sum3A_19 = vector.shape_cast %reduce_sum3A_18 : vector<1xf32> to vector<1x1x1xf32>
    %reduce_sum3A_20 = vector.extract %reduce_sum3A_19[0, 0, 0] : f32 from vector<1x1x1xf32>
    %div3A = vector.broadcast %reduce_sum3A_20 : f32 to vector<1x128xf32>
    %div3A_21 = arith.divf %select_n3A_15, %div3A : vector<1x128xf32>
    %broadcast_in_dim3A_22 = arith.constant 0.000000e+00 : f32
    %broadcast_in_dim3A_23 = vector.broadcast %broadcast_in_dim3A_22 : f32 to vector<512x512xf32>
    %eq3A = arith.constant 0 : i32
    %eq3A_24 = vector.broadcast %eq3A : i32 to vector<1x128xi32>
    %eq3A_25 = arith.cmpi eq, %iota3A, %eq3A_24 : vector<1x128xi32>
    %jit3A_26 = arith.constant 0.000000e+00 : f32
    %broadcast_in_dim3A_27 = vector.broadcast %jit3A_26 : f32 to vector<1x128xf32>
    %select_n3A_28 = arith.select %eq3A_25, %div3A_21, %broadcast_in_dim3A_27 : vector<1x128xi1>, vector<1x128xf32>
    %reduce_sum3A_29 = vector.shape_cast %select_n3A_28 : vector<1x128xf32> to vector<1x1x128xf32>
    %reduce_sum3A_30 = arith.constant dense<0.000000e+00> : vector<1xf32>
    %reduce_sum3A_31 = vector.multi_reduction <add>, %reduce_sum3A_29, %reduce_sum3A_30 [1, 2] : vector<1x1x128xf32> to vector<1xf32>
    %reduce_sum3A_32 = vector.shape_cast %reduce_sum3A_31 : vector<1xf32> to vector<1x1x1xf32>
    %reduce_sum3A_33 = vector.extract %reduce_sum3A_32[0, 0, 0] : f32 from vector<1x1x1xf32>
    %get3A_34 = arith.constant 0 : index
    %get3A_35 = arith.constant 0 : index
    %get3A_36 = arith.constant 0 : index
    %get3A_37 = vector.load %arg2[%get3A_34, %get3A_35, %get3A_36] : memref<3x512x512xf32, #tpu.memory_space<vmem>>, vector<1x512x512xf32>
    %get3A_38 = vector.shape_cast %get3A_37 : vector<1x512x512xf32> to vector<512x512xf32>
    %mul3A_39 = vector.broadcast %reduce_sum3A_33 : f32 to vector<512x512xf32>
    %mul3A_40 = arith.mulf %mul3A_39, %get3A_38 : vector<512x512xf32>
    %add3A = arith.addf %broadcast_in_dim3A_23, %mul3A_40 : vector<512x512xf32>
    %eq3A_41 = arith.constant 1 : i32
    %eq3A_42 = vector.broadcast %eq3A_41 : i32 to vector<1x128xi32>
    %eq3A_43 = arith.cmpi eq, %iota3A, %eq3A_42 : vector<1x128xi32>
    %jit3A_44 = arith.constant 0.000000e+00 : f32
    %broadcast_in_dim3A_45 = vector.broadcast %jit3A_44 : f32 to vector<1x128xf32>
    %select_n3A_46 = arith.select %eq3A_43, %div3A_21, %broadcast_in_dim3A_45 : vector<1x128xi1>, vector<1x128xf32>
    %reduce_sum3A_47 = vector.shape_cast %select_n3A_46 : vector<1x128xf32> to vector<1x1x128xf32>
    %reduce_sum3A_48 = arith.constant dense<0.000000e+00> : vector<1xf32>
    %reduce_sum3A_49 = vector.multi_reduction <add>, %reduce_sum3A_47, %reduce_sum3A_48 [1, 2] : vector<1x1x128xf32> to vector<1xf32>
    %reduce_sum3A_50 = vector.shape_cast %reduce_sum3A_49 : vector<1xf32> to vector<1x1x1xf32>
    %reduce_sum3A_51 = vector.extract %reduce_sum3A_50[0, 0, 0] : f32 from vector<1x1x1xf32>
    %get3A_52 = arith.constant 1 : index
    %get3A_53 = arith.constant 0 : index
    %get3A_54 = arith.constant 0 : index
    %get3A_55 = vector.load %arg2[%get3A_52, %get3A_53, %get3A_54] : memref<3x512x512xf32, #tpu.memory_space<vmem>>, vector<1x512x512xf32>
    %get3A_56 = vector.shape_cast %get3A_55 : vector<1x512x512xf32> to vector<512x512xf32>
    %mul3A_57 = vector.broadcast %reduce_sum3A_51 : f32 to vector<512x512xf32>
    %mul3A_58 = arith.mulf %mul3A_57, %get3A_56 : vector<512x512xf32>
    %add3A_59 = arith.addf %add3A, %mul3A_58 : vector<512x512xf32>
    %eq3A_60 = arith.constant 2 : i32
    %eq3A_61 = vector.broadcast %eq3A_60 : i32 to vector<1x128xi32>
    %eq3A_62 = arith.cmpi eq, %iota3A, %eq3A_61 : vector<1x128xi32>
    %jit3A_63 = arith.constant 0.000000e+00 : f32
    %broadcast_in_dim3A_64 = vector.broadcast %jit3A_63 : f32 to vector<1x128xf32>
    %select_n3A_65 = arith.select %eq3A_62, %div3A_21, %broadcast_in_dim3A_64 : vector<1x128xi1>, vector<1x128xf32>
    %reduce_sum3A_66 = vector.shape_cast %select_n3A_65 : vector<1x128xf32> to vector<1x1x128xf32>
    %reduce_sum3A_67 = arith.constant dense<0.000000e+00> : vector<1xf32>
    %reduce_sum3A_68 = vector.multi_reduction <add>, %reduce_sum3A_66, %reduce_sum3A_67 [1, 2] : vector<1x1x128xf32> to vector<1xf32>
    %reduce_sum3A_69 = vector.shape_cast %reduce_sum3A_68 : vector<1xf32> to vector<1x1x1xf32>
    %reduce_sum3A_70 = vector.extract %reduce_sum3A_69[0, 0, 0] : f32 from vector<1x1x1xf32>
    %get3A_71 = arith.constant 2 : index
    %get3A_72 = arith.constant 0 : index
    %get3A_73 = arith.constant 0 : index
    %get3A_74 = vector.load %arg2[%get3A_71, %get3A_72, %get3A_73] : memref<3x512x512xf32, #tpu.memory_space<vmem>>, vector<1x512x512xf32>
    %get3A_75 = vector.shape_cast %get3A_74 : vector<1x512x512xf32> to vector<512x512xf32>
    %mul3A_76 = vector.broadcast %reduce_sum3A_70 : f32 to vector<512x512xf32>
    %mul3A_77 = arith.mulf %mul3A_76, %get3A_75 : vector<512x512xf32>
    %add3A_78 = arith.addf %add3A_59, %mul3A_77 : vector<512x512xf32>
    %swap3A = arith.constant 0 : index
    %swap3A_79 = arith.constant 0 : index
    %swap3A_80 = vector.load %arg3[%swap3A, %swap3A_79] : memref<512x512xf32, #tpu.memory_space<vmem>>, vector<512x512xf32>
    tpu.vector_store %arg3[%swap3A, %swap3A_79], %add3A_78 {strides = array<i32>} : memref<512x512xf32, #tpu.memory_space<vmem>>, vector<512x512xf32>,
    return
  }
  func.func @transform_0(%arg0: i32) -> (i32, i32) {
    %c0_i32 = arith.constant 0 : i32
    %c0_i32_0 = arith.constant 0 : i32
    %c0_i32_1 = arith.constant 0 : i32
    return %c0_i32, %c0_i32_0 : i32, i32
  }
  func.func @transform_1(%arg0: i32) -> (i32, i32, i32) {
    %c0_i32 = arith.constant 0 : i32
    %c0_i32_0 = arith.constant 0 : i32
    %c0_i32_1 = arith.constant 0 : i32
    return %c0_i32, %arg0, %c0_i32_0 : i32, i32, i32
  }
  func.func @transform_2(%arg0: i32) -> (i32, i32) {
    %c0_i32 = arith.constant 0 : i32
    %c0_i32_0 = arith.constant 0 : i32
    return %arg0, %c0_i32 : i32, i32
  }
}

</mosaic_0001>

<sc_bundles>
// kernel: kernel.5.cloned.1.call-start
scs
__scs_entry_jumppad:
0x0: {  	(pc) =	sbr.rel $0x88, $3  }
0x1: {  	(tag) =	ssettag $0x0;
	lr =	simm.s32 $0x1  }
0x2: {  	[smem:$0x3F9A] =	sst lr;
	_ =	strace $0xD0000000  }
0x3: {  	_ = 	snop  }
0x4: {  	_ = 	snop  }
0x5: {  	_ = 	snop  }
0x6: {  	_ = 	snop  }
0x7: {  	_ = 	snop  }
__scs_overlays_trampoline_lowered:
0x8: {  	[smem:$0x3FA9] =	sst s0  }
0x9: {  	[smem:$0x3FAA] =	sst s1  }
0xa: {  	[smem:$0x3FAB] =	sst s2  }
0xb: {  	[smem:$0x3FAC] =	sst s3  }
0xc: {  	[smem:$0x3FAD] =	sst s4  }
0xd: {  	[smem:$0x3FAE] =	sst s5  }
0xe: {  	[smem:$0x3FAF] =	sst s6  }
0xf: {  	[smem:$0x3FB0] =	sst s7  }
0x10: {  	[smem:$0x3FB1] =	sst s8  }
0x11: {  	[smem:$0x3FB2] =	sst s9;
	s0 =	simm.s32 @!p0 $0x0  }
0x12: {  	s1 =	sld [smem:$0x3F98];
	s0 =	simm.s32 @p0 $0x1  }
0x13: {  	[smem:$0x3FB3] =	sst s0;
	s0 =	simm.s32 @!p1 $0x0  }
0x14: {  	s2 =	sld [smem:$0x3F97];
	s0 =	simm.s32 @p1 $0x1  }
0x15: {  	[smem:$0x3FB4] =	sst s0;
	s0 =	simm.s32 @!p2 $0x0  }
0x16: {  	s3 =	sld [smem:$0x3FDB];
	s0 =	simm.s32 @p2 $0x1  }
0x17: {  	s4 =	simm.s32 $0x1BF5;
	[smem:$0x3FB6] =	sst s0  }
0x18: {  	s0 =	sld [smem:$0x3F99];
	_ =	swait.ge [sflag:s4], $0x0  }
0x19: {  	s7 =	sld [smem:$0x3F9A]  }
0x1a: {  	s8 =	sadd.s32 $0xFFFFE003, lr  }
0x1b: {  	s9 =	sadd.s32 $0xFFFFFEF7, lr;
	s5 =	simm.s32 $0xFFFFFFFF;
	p2 =	slt.u32 s8, $0xFFFFF086  }
0x1c: {  	p1 =	slt.u32 s9, $0xF7A;
	s5 =	simm.s32 @!p2 $0x0  }
0x1d: {  	s5 =	simm.s32 @p1 $0x1;
	p0 =	seq.s32 s7, s2  }
0x1e: {  	s7 =	smul.u32 @!p0 $0xF7A, s2;
	p2 =	seq.s32 @!p0 s5, $0x0  }
0x1f: {  	s9 =	smul.u32 $0xF7A, s1;
	s8 =	simm.s32 @!p0 $0x1BF5;
	p2 =	por !p2, p0  }
0x20: {  	[sflag:s8] =	ssyncset.s32 @!p0 $0xFFFFF086;
	s6 =	sadd.s32 @!p0 s3, s7;
	s7 =	simm.s32 @!p0 $0x108  }
0x21: {  	s3 =	sadd.s32 s3, s9;
	s6 =	sadd.s32 @!p0 $0x88, s6;
	s7 =	simm.s32 @p2 $0x1082  }
0x22: {  	[simem:s7], [sflag:s8] =	dma.local @!p0 [hbm:s6], $0xF7A  }
0x23: {  	s9 =	sor.u32 $0xD0000000, s2;
	s6 =	simm.s32 $0x108;
	_ =	swait.ge @!p0 [sflag:s8], $0x0  }
0x24: {  	s3 =	sadd.s32 $0x88, s3;
	s6 =	simm.s32 @!p1 $0x1082;
	[sflag:s4] =	ssyncset.s32 $0xFFFFF086  }
0x25: {  	[simem:s6], [sflag:s4] =	dma.local [hbm:s3], $0xF7A  }
0x26: {  	[smem:$0x3F9A] =	sst s1;
	(tag) =	ssettag s2;
	_ =	strace s9  }
0x27: {  	s1 =	sld [smem:$0x3FAA]  }
0x28: {  	s2 =	sld [smem:$0x3FAB]  }
0x29: {  	s4 =	sld [smem:$0x3FAD]  }
0x2a: {  	p0 =	seq.s32 s5, $0x0;
	s5 =	sld [smem:$0x3FAE]  }
0x2b: {  	s6 =	sld [smem:$0x3FAF]  }
0x2c: {  	s7 =	sld [smem:$0x3FB0]  }
0x2d: {  	s3 =	simm.s32 $0x108;
	s8 =	sld [smem:$0x3FB1]  }
0x2e: {  	s3 =	simm.s32 @!p0 $0x1082;
	s9 =	sld [smem:$0x3FB2]  }
0x2f: {  	lr =	sadd.s32 s0, s3;
	s0 =	sld [smem:$0x3FA9]  }
0x30: {  	s3 =	sld [smem:$0x3FAC]  }
0x31: {  	[smem:$0x3FB5] =	sst s10  }
0x32: {  	s10 =	sld [smem:$0x3FB3];
	_ =	sdelay $0x3  }
0x33: {  	p0 =	seq.s32 s10, $0x1;
	s10 =	sld [smem:$0x3FB5];
	_ =	sdelay $0x3  }
0x34: {  	[smem:$0x3FB5] =	sst s10  }
0x35: {  	s10 =	sld [smem:$0x3FB4];
	_ =	sdelay $0x3  }
0x36: {  	p1 =	seq.s32 s10, $0x1;
	s10 =	sld [smem:$0x3FB5];
	_ =	sdelay $0x3  }
0x37: {  	[smem:$0x3FB5] =	sst s10  }
0x38: {  	s10 =	sld [smem:$0x3FB6]  }
0x39: {  	_ = 	snop;
	(pc) =	sbr.ind lr, $3  }
0x3a: {  	_ = 	snop  }
0x3b: {  	_ = 	snop  }
0x3c: {  	p2 =	seq.s32 s10, $0x1;
	s10 =	sld [smem:$0x3FB5]  }
0x3d: {  	_ =	shalt  }
0x3e: {  	_ =	shalt  }
0x3f: {  	_ =	shalt  }
0x40: {  	_ =	shalt  }
0x41: {  	_ =	shalt  }
0x42: {  	_ =	shalt  }
0x43: {  	_ =	shalt  }
0x44: {  	_ =	shalt  }
0x45: {  	_ =	shalt  }
0x46: {  	_ =	shalt  }
0x47: {  	_ =	shalt  }
0x48: {  	_ =	shalt  }
0x49: {  	_ =	shalt  }
0x4a: {  	_ =	shalt  }
0x4b: {  	_ =	shalt  }
0x4c: {  	_ =	shalt  }
0x4d: {  	_ =	shalt  }
0x4e: {  	_ =	shalt  }
0x4f: {  	_ =	shalt  }
0x50: {  	_ =	shalt  }
0x51: {  	_ =	shalt  }
0x52: {  	_ =	shalt  }
0x53: {  	_ =	shalt  }
0x54: {  	_ =	shalt  }
0x55: {  	_ =	shalt  }
0x56: {  	_ =	shalt  }
0x57: {  	_ =	shalt  }
0x58: {  	_ =	shalt  }
0x59: {  	_ =	shalt  }
0x5a: {  	_ =	shalt  }
0x5b: {  	_ =	shalt  }
0x5c: {  	_ =	shalt  }
0x5d: {  	_ =	shalt  }
0x5e: {  	_ =	shalt  }
0x5f: {  	_ =	shalt  }
0x60: {  	_ =	shalt  }
0x61: {  	_ =	shalt  }
0x62: {  	_ =	shalt  }
0x63: {  	_ =	shalt  }
0x64: {  	_ =	shalt  }
0x65: {  	_ =	shalt  }
0x66: {  	_ =	shalt  }
0x67: {  	_ =	shalt  }
0x68: {  	_ =	shalt  }
0x69: {  	_ =	shalt  }
0x6a: {  	_ =	shalt  }
0x6b: {  	_ =	shalt  }
0x6c: {  	_ =	shalt  }
0x6d: {  	_ =	shalt  }
0x6e: {  	_ =	shalt  }
0x6f: {  	_ =	shalt  }
0x70: {  	_ =	shalt  }
0x71: {  	_ =	shalt  }
0x72: {  	_ =	shalt  }
0x73: {  	_ =	shalt  }
0x74: {  	_ =	shalt  }
0x75: {  	_ =	shalt  }
0x76: {  	_ =	shalt  }
0x77: {  	_ =	shalt  }
0x78: {  	_ =	shalt  }
0x79: {  	_ =	shalt  }
0x7a: {  	_ =	shalt  }
0x7b: {  	_ =	shalt  }
0x7c: {  	_ =	shalt  }
0x7d: {  	_ =	shalt  }
0x7e: {  	_ =	shalt  }
0x7f: {  	_ =	shalt  }
0x80: {  	_ =	shalt  }
0x81: {  	_ =	shalt  }
0x82: {  	_ =	shalt  }
0x83: {  	_ =	shalt  }
0x84: {  	_ =	shalt  }
0x85: {  	_ =	shalt  }
0x86: {  	_ =	shalt  }
0x87: {  	_ =	shalt  }
.Lfunc_end0:
.L_simem_size_0:
called_computation_lowered:
.L_overlay_start_0:
0x88: {  	s2 =	sld [smem:$0x3FD9]  }
0x89: {  	s3 =	sld [smem:$0x3FFE];
	_ =	sdelay $0x1  }
0x8a: {  	s1 =	srdreg.scid  }
0x8b: {  	s0 =	sand.u32 $0x1, s1  }
0x8c: {  	s17 =	sshll.u32 s0, $0xA;
	s2 =	sadd.s32 s3, s2  }
0x8d: {  	s2 =	sadd.s32 s2, s17  }
0x8e: {  	[smem:$0x3FC1] =	sst s2  }
0x8f: {  	_ = 	snop  }
0x90: {  	s2 =	sld [smem:$0x3FC9]  }
0x91: {  	s18 =	sld [smem:$0x3FC8]  }
0x92: {  	s4 =	sld [smem:$0x3FD0];
	(tm) =	ssettm $0x1  }
0x93: {  	s5 =	sld [smem:$0x3FFB];
	_ =	sdelay $0x3  }
0x94: {  	_ =	strace s5  }
0x95: {  	s5 =	sld [smem:$0x3FFC];
	_ =	sdelay $0x3  }
0x96: {  	_ =	strace s5  }
0x97: {  	s5 =	sld [smem:$0x3FFD];
	_ =	sdelay $0x3  }
0x98: {  	_ =	strace s5  }
0x99: {  	_ =	strace $0x8FFFFFFF  }
0x9a: {  	s19 =	sld [smem:$0x3FDB];
	_ =	sdelay $0x1  }
0x9b: {  	s6 =	simm.s32 $_scs_section_size  }
0x9c: {  	s7 =	simm.s32 $_size__tile_overlayer_lowered;
	s8 =	simm.s32 $_tile_overlayer_lowered  }
0x9d: {  	s22 =	simm.s32 $0x1BFF;
	s21 =	sshll.u32 s8, $0x1;
	s5 =	sadd.s32 s6, s19  }
0x9e: {  	s9 =	simm.s32 $0x0;
	s20 =	sshll.u32 s7, $0x1;
	s7 =	sadd.s32 s21, s5  }
0x9f: {  	[timem:s9], [sflag:s22] =	dma.local [hbm:s7], s20  }
0xa0: {  	_ =	swait.ge [sflag:s22], s20  }
0xa1: {  	s6 =	ssub.s32 $0x0, s20;
	[sflag:s22] =	ssyncset.done $0x0  }
0xa2: {  	[sflag:s22] =	ssyncadd.s32 s6;
	_ =	sdelay $0x1  }
0xa3: {  	s23 =	simm.s32 $0x1B8B  }
0xa4: {  	_ =	swait.ge [sflag:s23], $0x1  }
0xa5: {  	[sflag:s23] =	ssyncset.done $0x0  }
0xa6: {  	s25 =	simm.s32 $0x1B8E;
	s24 =	sld [smem:$0x3FFE];
	[sflag:s23] =	ssyncadd.s32 $0xFFFFFFFF  }
0xa7: {  	s26 =	simm.s32 $execute0_lowered;
	[smem:$0x3FD2] =	sst s25  }
0xa8: {  	s7 =	sshll.u32 s26, $0x1;
	_ =	strace $0x80000046;
	[dreg:$0x1] =	wrdreg $0xFFFFFFFF  }
0xa9: {  	s28 =	simm.s32 $_size_execute0_lowered;
	s5 =	sadd.s32 s5, s7;
	[dreg:$0x0] =	wrdreg $0x0  }
0xaa: {  	s7 =	sshll.u32 s28, $0x1;
	[dreg:$0x2] =	wrdreg s5  }
0xab: {  	[dreg:$0x3] =	wrdreg s7  }
0xac: {  	[dreg:$0x4] =	wrdreg $0xC0  }
0xad: {  	_ =	task [dreg:s9], $0x5FFFF  }
0xae: {  	[dreg:$0x1] =	wrdreg $0xFFFFFFFF  }
0xaf: {  	[dreg:$0x0] =	wrdreg $0x60  }
0xb0: {  	[dreg:$0x2] =	wrdreg s2  }
0xb1: {  	[dreg:$0x3] =	wrdreg s18  }
0xb2: {  	[dreg:$0x4] =	wrdreg s24  }
0xb3: {  	[dreg:$0x5] =	wrdreg s4  }
0xb4: {  	[dreg:$0x6] =	wrdreg $0x9  }
0xb5: {  	_ =	task.clear_ibuf [dreg:s9], $0x7FFFF;
	_ =	strace $0x90000046  }
0xb6: {  	s29 =	simm.s32 $0x9;
	_ =	strace $0x80000048  }
0xb7: {  	_ =	swait.ge [sflag:s29], $0x1  }
0xb8: {  	[sflag:s29] =	ssyncadd.s32 $0xFFFFFFFF  }
0xb9: {  	_ =	strace $0x90000048  }
0xba: {  	_ =	sfence  }
0xbb: {  	s30 =	sld [smem:$0x0];
	_ =	sdelay $0x2  }
0xbc: {  	s31 =	sshll.u32 s1, $0xD;
	s1 =	sshrl.u32 s1, $0x2  }
0xbd: {  	s3 =	sand.u32 $0x4000, s31;
	s1 =	sadd.s32 s1, s30  }
0xbe: {  	s0 =	sor.u32 s3, s0;
	s1 =	sshll.u32 s1, $0x11  }
0xbf: {  	s0 =	sor.u32 s1, s0  }
0xc0: {  	s0 =	sadd.s32 $0x8F2B, s0  }
0xc1: {  	[sflag:s0] =	ssyncadd.remote.s32 $0x1  }
0xc2: {  	_ =	sfence.sel $0xFFFF  }
0xc3: {  	[dreg:$0x0] =	wrdreg $0xFFFFFFFF;
	(pc) =	sbr.abs _section_cstart, $3  }
0xc4: {  	[dreg:$0x1] =	wrdreg $0xFFFFFFFF  }
0xc5: {  	_ =	task.clear_ibuf [dreg:s9], $0x2FFFF;
	_ =	strace $0x9FFFFFFF  }
0xc6: {  	(tm) =	ssettm $0x7FFFFFFF  }
0xc7: {  	_ =	shalt  }
tec
execute0_lowered:
.L_overlay_start_1:
0x0: {  	(tag) =	ssettag $0x1  }
0x1: {  	s0 =	rddreg [dreg:$0x0]  }
0x2: {  	s1 =	rddreg [dreg:$0x1]  }
0x3: {  	s2 =	rddreg [dreg:$0x2]  }
0x4: {  	s4 =	rddreg [dreg:$0x3]  }
0x5: {  	s3 =	simm.s32 $0x0;
	s5 =	srdreg.scid;
	s6 =	stileid.u32  }
0x6: {  	s10 =	simm.s32 $0x4;
	s12 =	simm.s32 $0x4080;
	s28 =	simm.s32 $0x2  }
0x7: {  	s29 =	simm.s32 $0x1;
	s30 =	simm.s32 $0x14080;
	s31 =	simm.s32 $0x14880  }
0x8: {  	s11 =	simm.s32 $0x16080;
	s13 =	simm.s32 $0x16880;
	s14 =	simm.s32 $0x17080  }
0x9: {  	s15 =	simm.s32 $0x17880;
	s16 =	simm.s32 $0x3;
	s5 =	sand.u32 $0x1, s5  }
0xa: {  	[smem:$0x7FF] =	sst s3;
	s6 =	sshll.u32 s6, $0x8;
	s7 =	sshll.u32 s5, $0x7  }
0xb: {  	s8 =	sadd.s32 $0x1C00, s2;
	_ =	strace $0x80000047;
	s6 =	sor.u32 s7, s6  }
0xc: {  	s5 =	ssub.s32 $0x2, s5;
	s7 =	sshll.u32 s6, $0x6;
	s6 =	sshrl.u32 s6, $0x3  }
0xd: {  	[dreg:$0x5] =	wrdreg s8;
	s22 =	sshrl.u32 s5, $0x1;
	s0 =	sadd.s32 s0, s6  }
0xe: {  	s5 =	ssub.s32 s5, s22;
	s23 =	sadd.s32 s4, s7;
	[dreg:$0x6] =	wrdreg s0  }
0xf: {  	s9 =	sadd.s32 s7, s2;
	s26 =	smax.u32 s5, $0x1;
	[dreg:$0x7] =	wrdreg s23  }
0x10: {  	s25 =	sadd.s32 $0x68E00, s2;
	s24 =	sadd.s32 $0x28E00, s9;
	[dreg:$0x9] =	wrdreg s26  }
0x11: {  	v2 =	vlaneseq.u32;
	s17 =	simm.s32 $0x0;
	s0 =	sadd.s32 s7, s25;
	[dreg:$0x8] =	wrdreg s24  }
0x12: {  	vm0 =	vmmov $0xffff;
	v1 =	vshrl.u32 v2, $0x3;
	s6 =	sadd.s32 $0x100, s1;
	s2 =	sadd.s32 $0xA8E00, s2;
	[dreg:$0xa] =	wrdreg s0  }
0x13: {  	v0 =	vand.u32 $0x7, v2;
	v2 =	vor.u32 $0x8, v2;
	v1 =	vmul.u32 $0x8, v1;
	s24 =	sadd.s32 s7, s2;
	s0 =	simm.s32 $0x15080;
	s2 =	simm.s32 $0x15880  }
.LBB2_1:
0x14: {  	s4 =	rddreg [dreg:$0x6]  }
0x15: {  	[tilespmem:s3], [sflag:$0x4] =	stream.linear.gather [hbm4b:s4+s3], $0x80, $0x38;
	[tilespmem:$0x18080] =	vst v63  }
0x16: {  	_ =	swait.ge [sflag:s10], $0x80  }
0x17: {  	[sflag:s10] =	ssyncset.done $0x0  }
0x18: {  	s5 =	simm.s32 $0x80;
	s9 =	rddreg [dreg:$0x5];
	[sflag:s10] =	ssyncadd.s32 $0xFFFFFF80  }
0x19: {  	[tilespmem:s5], [sflag:$0x1] =	stream.indirect.gather [hbm4b:s9+s5], $0x80, s3, s5, $0xb8;
	[tilespmem:$0x18080] =	vst v63  }
0x1a: {  	v3 =	vld [tilespmem:$0x0];
	_ =	sdelay $0x4  }
0x1b: {  	v4 =	vshll.u32 v3, $0x2  }
0x1c: {  	v3 =	vand.u32 $0x7, v3;
	v4 =	vand.u32 $0xFFFFFFE0, v4  }
0x1d: {  	v3 =	vor.u32 v3, v4  }
0x1e: {  	v4 =	vperm.xlane v3, v0;
	_ =	sdelay $0x1  }
0x1f: {  	v4 =	vadd.s32 v1, v4;
	_ =	sdelay $0x1  }
0x20: {  	v3 =	vperm.xlane v3, v2;
	_ =	sdelay $0x1  }
0x21: {  	v3 =	vadd.s32 v1, v3  }
0x22: {  	[tilespmem:s12], [sflag:$0x2] =	stream.indirect_vreg.gather [hbm4b:s1+s3], $0x80, v4, vm0, $0xb8;
	[tilespmem:$0x18080] =	vst v63  }
0x23: {  	s18 =	simm.s32 $0x4880  }
0x24: {  	[tilespmem:s18], [sflag:$0x2] =	stream.indirect_vreg.gather [hbm4b:s6+s3], $0x80, v4, vm0, $0xb8;
	[tilespmem:$0x18080] =	vst v63  }
0x25: {  	s19 =	simm.s32 $0x5080  }
0x26: {  	[tilespmem:s19], [sflag:$0x2] =	stream.indirect_vreg.gather [hbm4b:s1+s3], $0x80, v3, vm0, $0xb8;
	[tilespmem:$0x18080] =	vst v63  }
0x27: {  	s20 =	simm.s32 $0x5880  }
0x28: {  	[tilespmem:s20], [sflag:$0x2] =	stream.indirect_vreg.gather [hbm4b:s6+s3], $0x80, v3, vm0, $0xb8;
	[tilespmem:$0x18080] =	vst v63  }
0x29: {  	v3 =	vld [tilespmem:$0x10];
	_ =	sdelay $0x4  }
0x2a: {  	v56 =	vshll.u32 v3, $0x2  }
0x2b: {  	v3 =	vand.u32 $0x7, v3;
	v4 =	vand.u32 $0xFFFFFFE0, v56  }
0x2c: {  	v3 =	vor.u32 v3, v4  }
0x2d: {  	v4 =	vperm.xlane v3, v0;
	_ =	sdelay $0x1  }
0x2e: {  	v4 =	vadd.s32 v1, v4;
	_ =	sdelay $0x1  }
0x2f: {  	v3 =	vperm.xlane v3, v2;
	_ =	sdelay $0x1  }
0x30: {  	s21 =	simm.s32 $0x6080;
	v3 =	vadd.s32 v1, v3  }
0x31: {  	[tilespmem:s21], [sflag:$0x2] =	stream.indirect_vreg.gather [hbm4b:s1+s3], $0x80, v4, vm0, $0xb8;
	[tilespmem:$0x18080] =	vst v63  }
0x32: {  	s22 =	simm.s32 $0x6880  }
0x33: {  	[tilespmem:s22], [sflag:$0x2] =	stream.indirect_vreg.gather [hbm4b:s6+s3], $0x80, v4, vm0, $0xb8;
	[tilespmem:$0x18080] =	vst v63  }
0x34: {  	s23 =	simm.s32 $0x7080  }
0x35: {  	[tilespmem:s23], [sflag:$0x2] =	stream.indirect_vreg.gather [hbm4b:s1+s3], $0x80, v3, vm0, $0xb8;
	[tilespmem:$0x18080] =	vst v63  }
0x36: {  	s25 =	simm.s32 $0x7880  }
0x37: {  	[tilespmem:s25], [sflag:$0x2] =	stream.indirect_vreg.gather [hbm4b:s6+s3], $0x80, v3, vm0, $0xb8;
	[tilespmem:$0x18080] =	vst v63  }
0x38: {  	v3 =	vld [tilespmem:$0x20];
	_ =	sdelay $0x4  }
0x39: {  	v57 =	vshll.u32 v3, $0x2  }
0x3a: {  	v3 =	vand.u32 $0x7, v3;
	v4 =	vand.u32 $0xFFFFFFE0, v57  }
0x3b: {  	v3 =	vor.u32 v3, v4  }
0x3c: {  	v4 =	vperm.xlane v3, v0;
	_ =	sdelay $0x1  }
0x3d: {  	v4 =	vadd.s32 v1, v4;
	_ =	sdelay $0x1  }
0x3e: {  	v3 =	vperm.xlane v3, v2;
	_ =	sdelay $0x1  }
0x3f: {  	s26 =	simm.s32 $0x8080;
	v3 =	vadd.s32 v1, v3  }
0x40: {  	[tilespmem:s26], [sflag:$0x2] =	stream.indirect_vreg.gather [hbm4b:s1+s3], $0x80, v4, vm0, $0xb8;
	[tilespmem:$0x18080] =	vst v63  }
0x41: {  	s5 =	simm.s32 $0x8880  }
0x42: {  	[tilespmem:s5], [sflag:$0x2] =	stream.indirect_vreg.gather [hbm4b:s6+s3], $0x80, v4, vm0, $0xb8;
	[tilespmem:$0x18080] =	vst v63  }
0x43: {  	s7 =	simm.s32 $0x9080  }
0x44: {  	[tilespmem:s7], [sflag:$0x2] =	stream.indirect_vreg.gather [hbm4b:s1+s3], $0x80, v3, vm0, $0xb8;
	[tilespmem:$0x18080] =	vst v63  }
0x45: {  	s8 =	simm.s32 $0x9880  }
0x46: {  	[tilespmem:s8], [sflag:$0x2] =	stream.indirect_vreg.gather [hbm4b:s6+s3], $0x80, v3, vm0, $0xb8;
	[tilespmem:$0x18080] =	vst v63  }
0x47: {  	v3 =	vld [tilespmem:$0x30];
	_ =	sdelay $0x4  }
0x48: {  	v58 =	vshll.u32 v3, $0x2  }
0x49: {  	v3 =	vand.u32 $0x7, v3;
	v4 =	vand.u32 $0xFFFFFFE0, v58  }
0x4a: {  	v3 =	vor.u32 v3, v4  }
0x4b: {  	v4 =	vperm.xlane v3, v0;
	_ =	sdelay $0x1  }
0x4c: {  	v4 =	vadd.s32 v1, v4;
	_ =	sdelay $0x1  }
0x4d: {  	v3 =	vperm.xlane v3, v2;
	_ =	sdelay $0x1  }
0x4e: {  	s9 =	simm.s32 $0xA080;
	v3 =	vadd.s32 v1, v3  }
0x4f: {  	[tilespmem:s9], [sflag:$0x2] =	stream.indirect_vreg.gather [hbm4b:s1+s3], $0x80, v4, vm0, $0xb8;
	[tilespmem:$0x18080] =	vst v63  }
0x50: {  	s18 =	simm.s32 $0xA880  }
0x51: {  	[tilespmem:s18], [sflag:$0x2] =	stream.indirect_vreg.gather [hbm4b:s6+s3], $0x80, v4, vm0, $0xb8;
	[tilespmem:$0x18080] =	vst v63  }
0x52: {  	s19 =	simm.s32 $0xB080  }
0x53: {  	[tilespmem:s19], [sflag:$0x2] =	stream.indirect_vreg.gather [hbm4b:s1+s3], $0x80, v3, vm0, $0xb8;
	[tilespmem:$0x18080] =	vst v63  }
0x54: {  	s20 =	simm.s32 $0xB880  }
0x55: {  	[tilespmem:s20], [sflag:$0x2] =	stream.indirect_vreg.gather [hbm4b:s6+s3], $0x80, v3, vm0, $0xb8;
	[tilespmem:$0x18080] =	vst v63  }
0x56: {  	v3 =	vld [tilespmem:$0x40];
	_ =	sdelay $0x4  }
0x57: {  	v59 =	vshll.u32 v3, $0x2  }
0x58: {  	v3 =	vand.u32 $0x7, v3;
	v4 =	vand.u32 $0xFFFFFFE0, v59  }
0x59: {  	v3 =	vor.u32 v3, v4  }
0x5a: {  	v4 =	vperm.xlane v3, v0;
	_ =	sdelay $0x1  }
0x5b: {  	v4 =	vadd.s32 v1, v4;
	_ =	sdelay $0x1  }
0x5c: {  	v3 =	vperm.xlane v3, v2;
	_ =	sdelay $0x1  }
0x5d: {  	s21 =	simm.s32 $0xC080;
	v3 =	vadd.s32 v1, v3  }
0x5e: {  	[tilespmem:s21], [sflag:$0x2] =	stream.indirect_vreg.gather [hbm4b:s1+s3], $0x80, v4, vm0, $0xb8;
	[tilespmem:$0x18080] =	vst v63  }
0x5f: {  	s22 =	simm.s32 $0xC880  }
0x60: {  	[tilespmem:s22], [sflag:$0x2] =	stream.indirect_vreg.gather [hbm4b:s6+s3], $0x80, v4, vm0, $0xb8;
	[tilespmem:$0x18080] =	vst v63  }
0x61: {  	s23 =	simm.s32 $0xD080  }
0x62: {  	[tilespmem:s23], [sflag:$0x2] =	stream.indirect_vreg.gather [hbm4b:s1+s3], $0x80, v3, vm0, $0xb8;
	[tilespmem:$0x18080] =	vst v63  }
0x63: {  	s25 =	simm.s32 $0xD880  }
0x64: {  	[tilespmem:s25], [sflag:$0x2] =	stream.indirect_vreg.gather [hbm4b:s6+s3], $0x80, v3, vm0, $0xb8;
	[tilespmem:$0x18080] =	vst v63  }
0x65: {  	v3 =	vld [tilespmem:$0x50];
	_ =	sdelay $0x4  }
0x66: {  	v60 =	vshll.u32 v3, $0x2  }
0x67: {  	v3 =	vand.u32 $0x7, v3;
	v4 =	vand.u32 $0xFFFFFFE0, v60  }
0x68: {  	v3 =	vor.u32 v3, v4  }
0x69: {  	v4 =	vperm.xlane v3, v0;
	_ =	sdelay $0x1  }
0x6a: {  	v4 =	vadd.s32 v1, v4;
	_ =	sdelay $0x1  }
0x6b: {  	v3 =	vperm.xlane v3, v2;
	_ =	sdelay $0x1  }
0x6c: {  	s26 =	simm.s32 $0xE080;
	v3 =	vadd.s32 v1, v3  }
0x6d: {  	[tilespmem:s26], [sflag:$0x2] =	stream.indirect_vreg.gather [hbm4b:s1+s3], $0x80, v4, vm0, $0xb8;
	[tilespmem:$0x18080] =	vst v63  }
0x6e: {  	s5 =	simm.s32 $0xE880  }
0x6f: {  	[tilespmem:s5], [sflag:$0x2] =	stream.indirect_vreg.gather [hbm4b:s6+s3], $0x80, v4, vm0, $0xb8;
	[tilespmem:$0x18080] =	vst v63  }
0x70: {  	s7 =	simm.s32 $0xF080  }
0x71: {  	[tilespmem:s7], [sflag:$0x2] =	stream.indirect_vreg.gather [hbm4b:s1+s3], $0x80, v3, vm0, $0xb8;
	[tilespmem:$0x18080] =	vst v63  }
0x72: {  	s8 =	simm.s32 $0xF880  }
0x73: {  	[tilespmem:s8], [sflag:$0x2] =	stream.indirect_vreg.gather [hbm4b:s6+s3], $0x80, v3, vm0, $0xb8;
	[tilespmem:$0x18080] =	vst v63  }
0x74: {  	v3 =	vld [tilespmem:$0x60];
	_ =	sdelay $0x4  }
0x75: {  	v61 =	vshll.u32 v3, $0x2  }
0x76: {  	v3 =	vand.u32 $0x7, v3;
	v4 =	vand.u32 $0xFFFFFFE0, v61  }
0x77: {  	v3 =	vor.u32 v3, v4  }
0x78: {  	v4 =	vperm.xlane v3, v0;
	_ =	sdelay $0x1  }
0x79: {  	v4 =	vadd.s32 v1, v4;
	_ =	sdelay $0x1  }
0x7a: {  	v3 =	vperm.xlane v3, v2;
	_ =	sdelay $0x1  }
0x7b: {  	s9 =	simm.s32 $0x10080;
	v3 =	vadd.s32 v1, v3  }
0x7c: {  	[tilespmem:s9], [sflag:$0x2] =	stream.indirect_vreg.gather [hbm4b:s1+s3], $0x80, v4, vm0, $0xb8;
	[tilespmem:$0x18080] =	vst v63  }
0x7d: {  	s18 =	simm.s32 $0x10880  }
0x7e: {  	[tilespmem:s18], [sflag:$0x2] =	stream.indirect_vreg.gather [hbm4b:s6+s3], $0x80, v4, vm0, $0xb8;
	[tilespmem:$0x18080] =	vst v63  }
0x7f: {  	s19 =	simm.s32 $0x11080  }
0x80: {  	[tilespmem:s19], [sflag:$0x2] =	stream.indirect_vreg.gather [hbm4b:s1+s3], $0x80, v3, vm0, $0xb8;
	[tilespmem:$0x18080] =	vst v63  }
0x81: {  	s20 =	simm.s32 $0x11880  }
0x82: {  	[tilespmem:s20], [sflag:$0x2] =	stream.indirect_vreg.gather [hbm4b:s6+s3], $0x80, v3, vm0, $0xb8;
	[tilespmem:$0x18080] =	vst v63  }
0x83: {  	v3 =	vld [tilespmem:$0x70];
	_ =	sdelay $0x4  }
0x84: {  	v62 =	vshll.u32 v3, $0x2  }
0x85: {  	v3 =	vand.u32 $0x7, v3;
	v4 =	vand.u32 $0xFFFFFFE0, v62  }
0x86: {  	v3 =	vor.u32 v3, v4  }
0x87: {  	v4 =	vperm.xlane v3, v0;
	_ =	sdelay $0x1  }
0x88: {  	v4 =	vadd.s32 v1, v4;
	_ =	sdelay $0x1  }
0x89: {  	v3 =	vperm.xlane v3, v2;
	_ =	sdelay $0x1  }
0x8a: {  	s21 =	simm.s32 $0x12080;
	v3 =	vadd.s32 v1, v3  }
0x8b: {  	[tilespmem:s21], [sflag:$0x2] =	stream.indirect_vreg.gather [hbm4b:s1+s3], $0x80, v4, vm0, $0xb8;
	[tilespmem:$0x18080] =	vst v63  }
0x8c: {  	s22 =	simm.s32 $0x12880  }
0x8d: {  	[tilespmem:s22], [sflag:$0x2] =	stream.indirect_vreg.gather [hbm4b:s6+s3], $0x80, v4, vm0, $0xb8;
	[tilespmem:$0x18080] =	vst v63  }
0x8e: {  	s23 =	simm.s32 $0x13080  }
0x8f: {  	[tilespmem:s23], [sflag:$0x2] =	stream.indirect_vreg.gather [hbm4b:s1+s3], $0x80, v3, vm0, $0xb8;
	[tilespmem:$0x18080] =	vst v63  }
0x90: {  	s25 =	simm.s32 $0x13880  }
0x91: {  	[tilespmem:s25], [sflag:$0x2] =	stream.indirect_vreg.gather [hbm4b:s6+s3], $0x80, v3, vm0, $0xb8;
	[tilespmem:$0x18080] =	vst v63  }
0x92: {  	_ =	swait.ge [sflag:s28], $0x10000  }
0x93: {  	[sflag:s28] =	ssyncset.done $0x0  }
0x94: {  	s26 =	rddreg [dreg:$0x7];
	[sflag:s28] =	ssyncadd.s32 $0xFFFF0000  }
0x95: {  	[hbm4b:s26+s3] =	stream.linear.scatter [tilespmem:s12], [sflag:$0x4], $0x10000, $0x38;
	[tilespmem:$0x18080] =	vst v63  }
0x96: {  	_ =	swait.ge [sflag:s10], $0x10000  }
0x97: {  	[sflag:s10] =	ssyncset.done $0x0  }
0x98: {  	[sflag:s10] =	ssyncadd.s32 $0xFFFF0000  }
0x99: {  	_ =	swait.ge [sflag:s29], $0x4000  }
0x9a: {  	[sflag:s29] =	ssyncset.done $0x0  }
0x9b: {  	[sflag:s29] =	ssyncadd.s32 $0xFFFFC000  }
0x9c: {  	v3 =	vld [tilespmem:$0x80];
	_ =	sdelay $0x4  }
0x9d: {  	v63 =	vshll.u32 v3, $0x2  }
0x9e: {  	v3 =	vand.u32 $0x7, v3;
	v4 =	vand.u32 $0xFFFFFFE0, v63  }
0x9f: {  	v3 =	vor.u32 v3, v4  }
0xa0: {  	v4 =	vperm.xlane v3, v0;
	_ =	sdelay $0x1  }
0xa1: {  	v4 =	vadd.s32 v1, v4;
	_ =	sdelay $0x1  }
0xa2: {  	v3 =	vperm.xlane v3, v2;
	_ =	sdelay $0x1  }
0xa3: {  	v3 =	vadd.s32 v1, v3  }
0xa4: {  	[tilespmem:s30], [sflag:$0x2] =	stream.indirect_vreg.gather [hbm4b:s1+s3], $0x80, v4, vm0, $0xb8;
	[tilespmem:$0x18080] =	vst v63  }
0xa5: {  	_ = 	snop  }
0xa6: {  	[tilespmem:s31], [sflag:$0x2] =	stream.indirect_vreg.gather [hbm4b:s6+s3], $0x80, v4, vm0, $0xb8;
	[tilespmem:$0x18080] =	vst v63  }
0xa7: {  	_ = 	snop  }
0xa8: {  	[tilespmem:s0], [sflag:$0x2] =	stream.indirect_vreg.gather [hbm4b:s1+s3], $0x80, v3, vm0, $0xb8;
	[tilespmem:$0x18080] =	vst v63  }
0xa9: {  	s18 =	simm.s32 $0x0  }
0xaa: {  	[tilespmem:s2], [sflag:$0x2] =	stream.indirect_vreg.gather [hbm4b:s6+s3], $0x80, v3, vm0, $0xb8;
	[tilespmem:$0x18080] =	vst v63  }
.LBB2_2:
0xab: {  	s4 =	sshllo.u32 s18, $0x1  }
0xac: {  	s19 =	sshll.u32 s4, $0x7  }
0xad: {  	s4 =	sand.u32 $0x3FFFFF80, s19  }
0xae: {  	v3 =	vld [tilespmem:s4+$0x80];
	_ =	sdelay $0x4  }
0xaf: {  	v4 =	vshll.u32 v3, $0x2  }
0xb0: {  	v3 =	vand.u32 $0x7, v3;
	v4 =	vand.u32 $0xFFFFFFE0, v4  }
0xb1: {  	v3 =	vor.u32 v3, v4  }
0xb2: {  	v4 =	vperm.xlane v3, v0;
	_ =	sdelay $0x1  }
0xb3: {  	v4 =	vadd.s32 v1, v4;
	_ =	sdelay $0x1  }
0xb4: {  	v3 =	vperm.xlane v3, v2;
	_ =	sdelay $0x1  }
0xb5: {  	s26 =	simm.s32 $0x0;
	v3 =	vadd.s32 v1, v3  }
0xb6: {  	[tilespmem:s11], [sflag:$0x3] =	stream.indirect_vreg.gather [hbm4b:s1+s26], $0x80, v4, vm0, $0xb8;
	[tilespmem:$0x18080] =	vst v63  }
0xb7: {  	_ = 	snop  }
0xb8: {  	[tilespmem:s13], [sflag:$0x3] =	stream.indirect_vreg.gather [hbm4b:s6+s26], $0x80, v4, vm0, $0xb8;
	[tilespmem:$0x18080] =	vst v63  }
0xb9: {  	s21 =	sshll.u32 s18, $0xA;
	s5 =	sshll.u32 s18, $0x8  }
0xba: {  	[tilespmem:s14], [sflag:$0x3] =	stream.indirect_vreg.gather [hbm4b:s1+s26], $0x80, v3, vm0, $0xb8;
	[tilespmem:$0x18080] =	vst v63  }
0xbb: {  	s8 =	simm.s32 $0x10;
	s7 =	simm.s32 $0x0;
	s25 =	sand.u32 $0xF000, s21  }
0xbc: {  	[tilespmem:s15], [sflag:$0x3] =	stream.indirect_vreg.gather [hbm4b:s6+s26], $0x80, v3, vm0, $0xb8;
	[tilespmem:$0x18080] =	vst v63  }
0xbd: {  	s5 =	sand.u32 $0x300, s5;
	s20 =	sadd.s32 $0x4080, s25;
	_ =	swait.ge [sflag:s28], $0x2000  }
0xbe: {  	s25 =	sand.u32 $0x70, s26;
	s4 =	sand.u32 $0xC00, s26;
	[sflag:s28] =	ssyncset.done $0x0  }
0xbf: {  	s22 =	sor.u32 s5, s20;
	s5 =	sor.u32 s25, s4;
	[sflag:s28] =	ssyncadd.s32 $0xFFFFE000  }
.LBB2_3:
0xc0: {  	p0 =	sne.s32 s8, $0x1F0;
	v3 =	vld [tilespmem:s5+$0x14100]  }
0xc1: {  	v4 =	vld [tilespmem:s5+$0x14080];
	_ =	sdelay $0x1  }
0xc2: {  	v5 =	vld [tilespmem:s5+$0x14180];
	_ =	sdelay $0x1  }
0xc3: {  	v6 =	vld [tilespmem:s5+$0x14200]  }
0xc4: {  	v3 =	vadd.f32 v3, v4  }
0xc5: {  	v4 =	vld [tilespmem:s5+$0x14280]  }
0xc6: {  	v3 =	vadd.f32 v5, v3  }
0xc7: {  	v5 =	vld [tilespmem:s5+$0x14300]  }
0xc8: {  	v3 =	vadd.f32 v6, v3  }
0xc9: {  	s9 =	sor.u32 s7, s26;
	s26 =	smov.u32 s8;
	v6 =	vld [tilespmem:s5+$0x14380]  }
0xca: {  	s9 =	sor.u32 $0x380, s9;
	v3 =	vadd.f32 v4, v3  }
0xcb: {  	v4 =	vld [tilespmem:s9+$0x14080]  }
0xcc: {  	v3 =	vadd.f32 v5, v3  }
0xcd: {  	v5 =	vld [tilespmem:s5+$0x15080]  }
0xce: {  	v3 =	vadd.f32 v6, v3  }
0xcf: {  	v6 =	vld [tilespmem:s5+$0x15100]  }
0xd0: {  	v3 =	vadd.f32 v4, v3  }
0xd1: {  	v4 =	vld [tilespmem:s5+$0x15180]  }
0xd2: {  	v3 =	vadd.f32 v5, v3  }
0xd3: {  	v5 =	vld [tilespmem:s5+$0x15200]  }
0xd4: {  	v3 =	vadd.f32 v6, v3  }
0xd5: {  	v6 =	vld [tilespmem:s5+$0x15280]  }
0xd6: {  	v3 =	vadd.f32 v4, v3  }
0xd7: {  	v4 =	vld [tilespmem:s5+$0x15300]  }
0xd8: {  	v3 =	vadd.f32 v5, v3  }
0xd9: {  	v5 =	vld [tilespmem:s5+$0x15380]  }
0xda: {  	v3 =	vadd.f32 v6, v3  }
0xdb: {  	v6 =	vld [tilespmem:s5+$0x15400]  }
0xdc: {  	v3 =	vadd.f32 v4, v3;
	_ =	sdelay $0x1  }
0xdd: {  	v3 =	vadd.f32 v5, v3;
	_ =	sdelay $0x1  }
.Ltmp0:
0xde: {  	v3 =	vadd.f32 v6, v3;
	(pc) =	sbr.rel @p0 .LBB2_3-.Ltmp0, $4  }
0xdf: {  	_ = 	snop  }
0xe0: {  	s7 =	sadd.s32 $0x80, s7;
	s5 =	sadd.s32 s4, s22;
	v3 =	vmul.f32 $6.250000000e-02, v3  }
0xe1: {  	s4 =	sand.u32 $0xC00, s7;
	s9 =	sadd.s32 s25, s5;
	s25 =	sand.u32 $0x70, s8  }
0xe2: {  	s8 =	sadd.s32 $0x10, s8;
	s5 =	sor.u32 s25, s4;
	[tilespmem:s9+$0x0] =	vst v3  }
0xe3: {  	v3 =	vld [tilespmem:s5+$0x14100]  }
0xe4: {  	v4 =	vld [tilespmem:s5+$0x14080];
	_ =	sdelay $0x1  }
0xe5: {  	v5 =	vld [tilespmem:s5+$0x14180];
	_ =	sdelay $0x1  }
0xe6: {  	v6 =	vld [tilespmem:s5+$0x14200]  }
0xe7: {  	v3 =	vadd.f32 v3, v4  }
0xe8: {  	v52 =	vld [tilespmem:s5+$0x14280]  }
0xe9: {  	v3 =	vadd.f32 v5, v3  }
0xea: {  	v53 =	vld [tilespmem:s5+$0x14300]  }
0xeb: {  	v3 =	vadd.f32 v6, v3  }
0xec: {  	v54 =	vld [tilespmem:s5+$0x14380];
	s7 =	sor.u32 s7, s26  }
0xed: {  	s7 =	sor.u32 $0x380, s7;
	v3 =	vadd.f32 v52, v3  }
0xee: {  	v55 =	vld [tilespmem:s7+$0x14080]  }
0xef: {  	v3 =	vadd.f32 v53, v3  }
0xf0: {  	v56 =	vld [tilespmem:s5+$0x15080]  }
0xf1: {  	v3 =	vadd.f32 v54, v3  }
0xf2: {  	v57 =	vld [tilespmem:s5+$0x15100]  }
0xf3: {  	v3 =	vadd.f32 v55, v3  }
0xf4: {  	v58 =	vld [tilespmem:s5+$0x15180]  }
0xf5: {  	v3 =	vadd.f32 v56, v3  }
0xf6: {  	v59 =	vld [tilespmem:s5+$0x15200]  }
0xf7: {  	v3 =	vadd.f32 v57, v3  }
0xf8: {  	v60 =	vld [tilespmem:s5+$0x15280]  }
0xf9: {  	v3 =	vadd.f32 v58, v3  }
0xfa: {  	v61 =	vld [tilespmem:s5+$0x15300]  }
0xfb: {  	v3 =	vadd.f32 v59, v3  }
0xfc: {  	v62 =	vld [tilespmem:s5+$0x15380]  }
0xfd: {  	v3 =	vadd.f32 v60, v3  }
0xfe: {  	v63 =	vld [tilespmem:s5+$0x15400]  }
0xff: {  	v3 =	vadd.f32 v61, v3;
	_ =	sdelay $0x1  }
0x100: {  	v3 =	vadd.f32 v62, v3;
	_ =	sdelay $0x1  }
0x101: {  	v3 =	vadd.f32 v63, v3;
	_ =	sdelay $0x1  }
0x102: {  	s4 =	sadd.s32 s4, s22;
	v3 =	vmul.f32 $6.250000000e-02, v3  }
0x103: {  	p0 =	seq.s32 s18, $0x3F;
	s4 =	sadd.s32 s25, s4  }
0x104: {  	[tilespmem:s4+$0x0] =	vst v3;
	s4 =	sshrl.u32 @!p0 s21, $0x2  }
0x105: {  	v3 =	vld @!p0 [tilespmem:s4+$0x180];
	_ =	sdelay $0x4  }
0x106: {  	v4 =	vshll.u32 @!p0 v3, $0x2  }
0x107: {  	v5 =	vlaneseq.u32 @!p0;
	v3 =	vand.u32 @!p0 $0x7, v3;
	v4 =	vand.u32 @!p0 $0xFFFFFFE0, v4  }
0x108: {  	v6 =	vshrl.u32 @!p0 v5, $0x3;
	v3 =	vor.u32 @!p0 v3, v4;
	v4 =	vand.u32 @!p0 $0x7, v5  }
0x109: {  	v6 =	vmul.u32 @!p0 $0x8, v6;
	v4 =	vperm.xlane @!p0 v3, v4;
	_ =	sdelay $0x1  }
0x10a: {  	v4 =	vadd.s32 @!p0 v6, v4  }
0x10b: {  	v5 =	vor.u32 @!p0 $0x8, v5  }
0x10c: {  	v3 =	vperm.xlane @!p0 v3, v5;
	_ =	sdelay $0x1  }
0x10d: {  	vm1 =	vmmov @!p0 $0xffff;
	s5 =	simm.s32 @!p0 $0x14080;
	s4 =	simm.s32 @!p0 $0x0;
	v3 =	vadd.s32 @!p0 v6, v3  }
0x10e: {  	[tilespmem:s5], [sflag:$0x2] =	stream.indirect_vreg.gather @!p0 [hbm4b:s1+s4], $0x80, v4, vm1, $0xb8;
	[tilespmem:$0x18080] =	vst v63  }
0x10f: {  	s5 =	simm.s32 @!p0 $0x14880  }
0x110: {  	[tilespmem:s5], [sflag:$0x2] =	stream.indirect_vreg.gather @!p0 [hbm4b:s6+s4], $0x80, v4, vm1, $0xb8;
	[tilespmem:$0x18080] =	vst v63  }
0x111: {  	s5 =	simm.s32 @!p0 $0x15080  }
0x112: {  	[tilespmem:s5], [sflag:$0x2] =	stream.indirect_vreg.gather @!p0 [hbm4b:s1+s4], $0x80, v3, vm1, $0xb8;
	[tilespmem:$0x18080] =	vst v63  }
0x113: {  	s26 =	sand.u32 $0x380, s19;
	s8 =	simm.s32 $0x10;
	s5 =	simm.s32 @!p0 $0x15880  }
0x114: {  	[tilespmem:s5], [sflag:$0x2] =	stream.indirect_vreg.gather @!p0 [hbm4b:s6+s4], $0x80, v3, vm1, $0xb8;
	[tilespmem:$0x18080] =	vst v63  }
0x115: {  	s19 =	sadd.s32 s26, s20;
	s21 =	simm.s32 $0x0;
	_ =	swait.ge [sflag:s16], $0x2000  }
0x116: {  	s20 =	sand.u32 $0x70, s21;
	s4 =	sand.u32 $0xC00, s21;
	[sflag:s16] =	ssyncset.done $0x0  }
0x117: {  	s7 =	simm.s32 $0x0;
	s5 =	sor.u32 s20, s4;
	[sflag:s16] =	ssyncadd.s32 $0xFFFFE000  }
.LBB2_5:
0x118: {  	p0 =	sne.s32 s8, $0x1F0;
	v3 =	vld [tilespmem:s5+$0x16100]  }
0x119: {  	v4 =	vld [tilespmem:s5+$0x16080];
	_ =	sdelay $0x1  }
0x11a: {  	v5 =	vld [tilespmem:s5+$0x16180];
	_ =	sdelay $0x1  }
0x11b: {  	v6 =	vld [tilespmem:s5+$0x16200]  }
0x11c: {  	v3 =	vadd.f32 v3, v4  }
0x11d: {  	v4 =	vld [tilespmem:s5+$0x16280]  }
0x11e: {  	v3 =	vadd.f32 v5, v3  }
0x11f: {  	v5 =	vld [tilespmem:s5+$0x16300]  }
0x120: {  	v3 =	vadd.f32 v6, v3  }
0x121: {  	s9 =	sor.u32 s7, s21;
	s21 =	smov.u32 s8;
	v6 =	vld [tilespmem:s5+$0x16380]  }
0x122: {  	s9 =	sor.u32 $0x380, s9;
	v3 =	vadd.f32 v4, v3  }
0x123: {  	v4 =	vld [tilespmem:s9+$0x16080]  }
0x124: {  	v3 =	vadd.f32 v5, v3  }
0x125: {  	v5 =	vld [tilespmem:s5+$0x17080]  }
0x126: {  	v3 =	vadd.f32 v6, v3  }
0x127: {  	v6 =	vld [tilespmem:s5+$0x17100]  }
0x128: {  	v3 =	vadd.f32 v4, v3  }
0x129: {  	v4 =	vld [tilespmem:s5+$0x17180]  }
0x12a: {  	v3 =	vadd.f32 v5, v3  }
0x12b: {  	v5 =	vld [tilespmem:s5+$0x17200]  }
0x12c: {  	v3 =	vadd.f32 v6, v3  }
0x12d: {  	v6 =	vld [tilespmem:s5+$0x17280]  }
0x12e: {  	v3 =	vadd.f32 v4, v3  }
0x12f: {  	v4 =	vld [tilespmem:s5+$0x17300]  }
0x130: {  	v3 =	vadd.f32 v5, v3  }
0x131: {  	v5 =	vld [tilespmem:s5+$0x17380]  }
0x132: {  	v3 =	vadd.f32 v6, v3  }
0x133: {  	v6 =	vld [tilespmem:s5+$0x17400]  }
0x134: {  	v3 =	vadd.f32 v4, v3;
	_ =	sdelay $0x1  }
0x135: {  	v3 =	vadd.f32 v5, v3;
	_ =	sdelay $0x1  }
.Ltmp1:
0x136: {  	v3 =	vadd.f32 v6, v3;
	(pc) =	sbr.rel @p0 .LBB2_5-.Ltmp1, $4  }
0x137: {  	_ = 	snop  }
0x138: {  	s7 =	sadd.s32 $0x80, s7;
	s5 =	sadd.s32 s4, s19;
	v3 =	vmul.f32 $6.250000000e-02, v3  }
0x139: {  	s4 =	sand.u32 $0xC00, s7;
	s9 =	sadd.s32 s20, s5;
	s20 =	sand.u32 $0x70, s8  }
0x13a: {  	s8 =	sadd.s32 $0x10, s8;
	s5 =	sor.u32 s20, s4;
	[tilespmem:s9+$0x0] =	vst v3  }
0x13b: {  	v3 =	vld [tilespmem:s5+$0x16100]  }
0x13c: {  	v4 =	vld [tilespmem:s5+$0x16080];
	_ =	sdelay $0x1  }
0x13d: {  	v5 =	vld [tilespmem:s5+$0x16180];
	_ =	sdelay $0x1  }
0x13e: {  	v6 =	vld [tilespmem:s5+$0x16200]  }
0x13f: {  	v3 =	vadd.f32 v3, v4  }
0x140: {  	v52 =	vld [tilespmem:s5+$0x16280]  }
0x141: {  	v3 =	vadd.f32 v5, v3  }
0x142: {  	v53 =	vld [tilespmem:s5+$0x16300]  }
0x143: {  	v3 =	vadd.f32 v6, v3  }
0x144: {  	v54 =	vld [tilespmem:s5+$0x16380];
	s7 =	sor.u32 s7, s21  }
0x145: {  	s7 =	sor.u32 $0x380, s7;
	v3 =	vadd.f32 v52, v3  }
0x146: {  	v55 =	vld [tilespmem:s7+$0x16080]  }
0x147: {  	v3 =	vadd.f32 v53, v3  }
0x148: {  	v56 =	vld [tilespmem:s5+$0x17080]  }
0x149: {  	v3 =	vadd.f32 v54, v3  }
0x14a: {  	v57 =	vld [tilespmem:s5+$0x17100]  }
0x14b: {  	v3 =	vadd.f32 v55, v3  }
0x14c: {  	v58 =	vld [tilespmem:s5+$0x17180]  }
0x14d: {  	v3 =	vadd.f32 v56, v3  }
0x14e: {  	v59 =	vld [tilespmem:s5+$0x17200]  }
0x14f: {  	v3 =	vadd.f32 v57, v3  }
0x150: {  	v60 =	vld [tilespmem:s5+$0x17280]  }
0x151: {  	v3 =	vadd.f32 v58, v3  }
0x152: {  	v61 =	vld [tilespmem:s5+$0x17300]  }
0x153: {  	v3 =	vadd.f32 v59, v3  }
0x154: {  	v62 =	vld [tilespmem:s5+$0x17380]  }
0x155: {  	v3 =	vadd.f32 v60, v3  }
0x156: {  	v63 =	vld [tilespmem:s5+$0x17400]  }
0x157: {  	v3 =	vadd.f32 v61, v3;
	_ =	sdelay $0x1  }
0x158: {  	s18 =	sadd.s32 $0x1, s18;
	v3 =	vadd.f32 v62, v3  }
0x159: {  	p0 =	sne.s32 s18, $0x40  }
.Ltmp2:
0x15a: {  	v3 =	vadd.f32 v63, v3;
	(pc) =	sbr.rel @p0 .LBB2_2-.Ltmp2, $4  }
0x15b: {  	_ = 	snop  }
0x15c: {  	s4 =	sadd.s32 s4, s19;
	v3 =	vmul.f32 $6.250000000e-02, v3  }
0x15d: {  	s4 =	sadd.s32 s20, s4  }
0x15e: {  	[tilespmem:s4+$0x0] =	vst v3  }
0x15f: {  	s18 =	simm.s32 $0x0;
	s4 =	rddreg [dreg:$0x8]  }
0x160: {  	[hbm4b:s4+s18] =	stream.linear.scatter [tilespmem:s12], [sflag:$0x4], $0x10000, $0x38;
	[tilespmem:$0x18080] =	vst v63  }
0x161: {  	_ =	swait.ge [sflag:s10], $0x10000  }
0x162: {  	[sflag:s10] =	ssyncset.done $0x0  }
0x163: {  	[sflag:s10] =	ssyncadd.s32 $0xFFFF0000  }
0x164: {  	v3 =	vld [tilespmem:$0x90];
	_ =	sdelay $0x4  }
0x165: {  	v4 =	vshll.u32 v3, $0x2  }
0x166: {  	v3 =	vand.u32 $0x7, v3;
	v4 =	vand.u32 $0xFFFFFFE0, v4  }
0x167: {  	v3 =	vor.u32 v3, v4  }
0x168: {  	v4 =	vperm.xlane v3, v0;
	_ =	sdelay $0x1  }
0x169: {  	v4 =	vadd.s32 v1, v4;
	_ =	sdelay $0x1  }
0x16a: {  	v3 =	vperm.xlane v3, v2;
	_ =	sdelay $0x1  }
0x16b: {  	v3 =	vadd.s32 v1, v3  }
0x16c: {  	[tilespmem:s30], [sflag:$0x2] =	stream.indirect_vreg.gather [hbm4b:s1+s18], $0x80, v4, vm0, $0xb8;
	[tilespmem:$0x18080] =	vst v63  }
0x16d: {  	_ = 	snop  }
0x16e: {  	[tilespmem:s31], [sflag:$0x2] =	stream.indirect_vreg.gather [hbm4b:s6+s18], $0x80, v4, vm0, $0xb8;
	[tilespmem:$0x18080] =	vst v63  }
0x16f: {  	_ = 	snop  }
0x170: {  	[tilespmem:s0], [sflag:$0x2] =	stream.indirect_vreg.gather [hbm4b:s1+s18], $0x80, v3, vm0, $0xb8;
	[tilespmem:$0x18080] =	vst v63  }
0x171: {  	s19 =	simm.s32 $0x0  }
0x172: {  	[tilespmem:s2], [sflag:$0x2] =	stream.indirect_vreg.gather [hbm4b:s6+s18], $0x80, v3, vm0, $0xb8;
	[tilespmem:$0x18080] =	vst v63  }
.LBB2_8:
0x173: {  	s4 =	sshllo.u32 s19, $0x1  }
0x174: {  	s20 =	sshll.u32 s4, $0x7  }
0x175: {  	s4 =	sand.u32 $0x3FFFFF80, s20  }
0x176: {  	v3 =	vld [tilespmem:s4+$0x90];
	_ =	sdelay $0x4  }
0x177: {  	v4 =	vshll.u32 v3, $0x2  }
0x178: {  	v3 =	vand.u32 $0x7, v3;
	v4 =	vand.u32 $0xFFFFFFE0, v4  }
0x179: {  	v3 =	vor.u32 v3, v4  }
0x17a: {  	v4 =	vperm.xlane v3, v0;
	_ =	sdelay $0x1  }
0x17b: {  	v4 =	vadd.s32 v1, v4;
	_ =	sdelay $0x1  }
0x17c: {  	v3 =	vperm.xlane v3, v2;
	_ =	sdelay $0x1  }
0x17d: {  	v3 =	vadd.s32 v1, v3  }
0x17e: {  	[tilespmem:s11], [sflag:$0x3] =	stream.indirect_vreg.gather [hbm4b:s1+s18], $0x80, v4, vm0, $0xb8;
	[tilespmem:$0x18080] =	vst v63  }
0x17f: {  	_ = 	snop  }
0x180: {  	[tilespmem:s13], [sflag:$0x3] =	stream.indirect_vreg.gather [hbm4b:s6+s18], $0x80, v4, vm0, $0xb8;
	[tilespmem:$0x18080] =	vst v63  }
0x181: {  	s22 =	sshll.u32 s19, $0xA;
	s26 =	sshll.u32 s19, $0x8;
	s25 =	sand.u32 $0x70, s18  }
0x182: {  	[tilespmem:s14], [sflag:$0x3] =	stream.indirect_vreg.gather [hbm4b:s1+s18], $0x80, v3, vm0, $0xb8;
	[tilespmem:$0x18080] =	vst v63  }
0x183: {  	s9 =	simm.s32 $0x10;
	s8 =	simm.s32 $0x0;
	s5 =	sand.u32 $0xF000, s22  }
0x184: {  	[tilespmem:s15], [sflag:$0x3] =	stream.indirect_vreg.gather [hbm4b:s6+s18], $0x80, v3, vm0, $0xb8;
	[tilespmem:$0x18080] =	vst v63  }
0x185: {  	s7 =	sand.u32 $0x300, s26;
	s21 =	sadd.s32 $0x4080, s5;
	_ =	swait.ge [sflag:s28], $0x2000  }
0x186: {  	s4 =	sand.u32 $0xC00, s18;
	s26 =	sor.u32 s7, s21;
	[sflag:s28] =	ssyncset.done $0x0  }
0x187: {  	s7 =	simm.s32 $0x0;
	s5 =	sor.u32 s25, s4;
	[sflag:s28] =	ssyncadd.s32 $0xFFFFE000  }
.LBB2_9:
0x188: {  	p0 =	sne.s32 s9, $0x1F0;
	v3 =	vld [tilespmem:s5+$0x14100]  }
0x189: {  	v4 =	vld [tilespmem:s5+$0x14080];
	_ =	sdelay $0x1  }
0x18a: {  	v5 =	vld [tilespmem:s5+$0x14180];
	_ =	sdelay $0x1  }
0x18b: {  	v6 =	vld [tilespmem:s5+$0x14200]  }
0x18c: {  	v3 =	vadd.f32 v3, v4  }
0x18d: {  	v4 =	vld [tilespmem:s5+$0x14280]  }
0x18e: {  	v3 =	vadd.f32 v5, v3  }
0x18f: {  	v5 =	vld [tilespmem:s5+$0x14300]  }
0x190: {  	v3 =	vadd.f32 v6, v3  }
0x191: {  	s23 =	sor.u32 s8, s7;
	s7 =	smov.u32 s9;
	v6 =	vld [tilespmem:s5+$0x14380]  }
0x192: {  	s23 =	sor.u32 $0x380, s23;
	v3 =	vadd.f32 v4, v3  }
0x193: {  	v4 =	vld [tilespmem:s23+$0x14080]  }
0x194: {  	v3 =	vadd.f32 v5, v3  }
0x195: {  	v5 =	vld [tilespmem:s5+$0x15080]  }
0x196: {  	v3 =	vadd.f32 v6, v3  }
0x197: {  	v6 =	vld [tilespmem:s5+$0x15100]  }
0x198: {  	v3 =	vadd.f32 v4, v3  }
0x199: {  	v4 =	vld [tilespmem:s5+$0x15180]  }
0x19a: {  	v3 =	vadd.f32 v5, v3  }
0x19b: {  	v5 =	vld [tilespmem:s5+$0x15200]  }
0x19c: {  	v3 =	vadd.f32 v6, v3  }
0x19d: {  	v6 =	vld [tilespmem:s5+$0x15280]  }
0x19e: {  	v3 =	vadd.f32 v4, v3  }
0x19f: {  	v4 =	vld [tilespmem:s5+$0x15300]  }
0x1a0: {  	v3 =	vadd.f32 v5, v3  }
0x1a1: {  	v5 =	vld [tilespmem:s5+$0x15380]  }
0x1a2: {  	v3 =	vadd.f32 v6, v3  }
0x1a3: {  	v6 =	vld [tilespmem:s5+$0x15400]  }
0x1a4: {  	v3 =	vadd.f32 v4, v3;
	_ =	sdelay $0x1  }
0x1a5: {  	v3 =	vadd.f32 v5, v3;
	_ =	sdelay $0x1  }
.Ltmp3:
0x1a6: {  	v3 =	vadd.f32 v6, v3;
	(pc) =	sbr.rel @p0 .LBB2_9-.Ltmp3, $4  }
0x1a7: {  	_ = 	snop  }
0x1a8: {  	s8 =	sadd.s32 $0x80, s8;
	s5 =	sadd.s32 s4, s26;
	v3 =	vmul.f32 $6.250000000e-02, v3  }
0x1a9: {  	s4 =	sand.u32 $0xC00, s8;
	s23 =	sadd.s32 s25, s5;
	s25 =	sand.u32 $0x70, s9  }
0x1aa: {  	s9 =	sadd.s32 $0x10, s9;
	s5 =	sor.u32 s25, s4;
	[tilespmem:s23+$0x0] =	vst v3  }
0x1ab: {  	v3 =	vld [tilespmem:s5+$0x14100]  }
0x1ac: {  	v4 =	vld [tilespmem:s5+$0x14080];
	_ =	sdelay $0x1  }
0x1ad: {  	v5 =	vld [tilespmem:s5+$0x14180];
	_ =	sdelay $0x1  }
0x1ae: {  	v6 =	vld [tilespmem:s5+$0x14200]  }
0x1af: {  	v3 =	vadd.f32 v3, v4  }
0x1b0: {  	v52 =	vld [tilespmem:s5+$0x14280]  }
0x1b1: {  	v3 =	vadd.f32 v5, v3  }
0x1b2: {  	v53 =	vld [tilespmem:s5+$0x14300]  }
0x1b3: {  	v3 =	vadd.f32 v6, v3  }
0x1b4: {  	v54 =	vld [tilespmem:s5+$0x14380];
	s7 =	sor.u32 s8, s7  }
0x1b5: {  	s7 =	sor.u32 $0x380, s7;
	v3 =	vadd.f32 v52, v3  }
0x1b6: {  	v55 =	vld [tilespmem:s7+$0x14080]  }
0x1b7: {  	v3 =	vadd.f32 v53, v3  }
0x1b8: {  	v56 =	vld [tilespmem:s5+$0x15080]  }
0x1b9: {  	v3 =	vadd.f32 v54, v3  }
0x1ba: {  	v57 =	vld [tilespmem:s5+$0x15100]  }
0x1bb: {  	v3 =	vadd.f32 v55, v3  }
0x1bc: {  	v58 =	vld [tilespmem:s5+$0x15180]  }
0x1bd: {  	v3 =	vadd.f32 v56, v3  }
0x1be: {  	v59 =	vld [tilespmem:s5+$0x15200]  }
0x1bf: {  	v3 =	vadd.f32 v57, v3  }
0x1c0: {  	v60 =	vld [tilespmem:s5+$0x15280]  }
0x1c1: {  	v3 =	vadd.f32 v58, v3  }
0x1c2: {  	v61 =	vld [tilespmem:s5+$0x15300]  }
0x1c3: {  	v3 =	vadd.f32 v59, v3  }
0x1c4: {  	v62 =	vld [tilespmem:s5+$0x15380]  }
0x1c5: {  	v3 =	vadd.f32 v60, v3  }
0x1c6: {  	v63 =	vld [tilespmem:s5+$0x15400]  }
0x1c7: {  	v3 =	vadd.f32 v61, v3;
	_ =	sdelay $0x1  }
0x1c8: {  	v3 =	vadd.f32 v62, v3;
	_ =	sdelay $0x1  }
0x1c9: {  	v3 =	vadd.f32 v63, v3;
	_ =	sdelay $0x1  }
0x1ca: {  	s4 =	sadd.s32 s4, s26;
	v3 =	vmul.f32 $6.250000000e-02, v3  }
0x1cb: {  	p0 =	seq.s32 s19, $0x3F;
	s4 =	sadd.s32 s25, s4  }
0x1cc: {  	[tilespmem:s4+$0x0] =	vst v3;
	s4 =	sshrl.u32 @!p0 s22, $0x2  }
0x1cd: {  	v3 =	vld @!p0 [tilespmem:s4+$0x190];
	_ =	sdelay $0x4  }
0x1ce: {  	v4 =	vshll.u32 @!p0 v3, $0x2  }
0x1cf: {  	v5 =	vlaneseq.u32 @!p0;
	v3 =	vand.u32 @!p0 $0x7, v3;
	v4 =	vand.u32 @!p0 $0xFFFFFFE0, v4  }
0x1d0: {  	v6 =	vshrl.u32 @!p0 v5, $0x3;
	v3 =	vor.u32 @!p0 v3, v4;
	v4 =	vand.u32 @!p0 $0x7, v5  }
0x1d1: {  	v6 =	vmul.u32 @!p0 $0x8, v6;
	v4 =	vperm.xlane @!p0 v3, v4;
	_ =	sdelay $0x1  }
0x1d2: {  	v4 =	vadd.s32 @!p0 v6, v4  }
0x1d3: {  	v5 =	vor.u32 @!p0 $0x8, v5  }
0x1d4: {  	v3 =	vperm.xlane @!p0 v3, v5;
	_ =	sdelay $0x1  }
0x1d5: {  	vm1 =	vmmov @!p0 $0xffff;
	s5 =	simm.s32 @!p0 $0x14080;
	s4 =	simm.s32 @!p0 $0x0;
	v3 =	vadd.s32 @!p0 v6, v3  }
0x1d6: {  	[tilespmem:s5], [sflag:$0x2] =	stream.indirect_vreg.gather @!p0 [hbm4b:s1+s4], $0x80, v4, vm1, $0xb8;
	[tilespmem:$0x18080] =	vst v63  }
0x1d7: {  	s5 =	simm.s32 @!p0 $0x14880  }
0x1d8: {  	[tilespmem:s5], [sflag:$0x2] =	stream.indirect_vreg.gather @!p0 [hbm4b:s6+s4], $0x80, v4, vm1, $0xb8;
	[tilespmem:$0x18080] =	vst v63  }
0x1d9: {  	s5 =	simm.s32 @!p0 $0x15080  }
0x1da: {  	[tilespmem:s5], [sflag:$0x2] =	stream.indirect_vreg.gather @!p0 [hbm4b:s1+s4], $0x80, v3, vm1, $0xb8;
	[tilespmem:$0x18080] =	vst v63  }
0x1db: {  	s26 =	sand.u32 $0x380, s20;
	s8 =	simm.s32 $0x10;
	s5 =	simm.s32 @!p0 $0x15880  }
0x1dc: {  	[tilespmem:s5], [sflag:$0x2] =	stream.indirect_vreg.gather @!p0 [hbm4b:s6+s4], $0x80, v3, vm1, $0xb8;
	[tilespmem:$0x18080] =	vst v63  }
0x1dd: {  	s20 =	sadd.s32 s26, s21;
	s22 =	simm.s32 $0x0;
	_ =	swait.ge [sflag:s16], $0x2000  }
0x1de: {  	s21 =	sand.u32 $0x70, s22;
	s4 =	sand.u32 $0xC00, s22;
	[sflag:s16] =	ssyncset.done $0x0  }
0x1df: {  	s7 =	simm.s32 $0x0;
	s5 =	sor.u32 s21, s4;
	[sflag:s16] =	ssyncadd.s32 $0xFFFFE000  }
.LBB2_11:
0x1e0: {  	p0 =	sne.s32 s8, $0x1F0;
	v3 =	vld [tilespmem:s5+$0x16100]  }
0x1e1: {  	v4 =	vld [tilespmem:s5+$0x16080];
	_ =	sdelay $0x1  }
0x1e2: {  	v5 =	vld [tilespmem:s5+$0x16180];
	_ =	sdelay $0x1  }
0x1e3: {  	v6 =	vld [tilespmem:s5+$0x16200]  }
0x1e4: {  	v3 =	vadd.f32 v3, v4  }
0x1e5: {  	v4 =	vld [tilespmem:s5+$0x16280]  }
0x1e6: {  	v3 =	vadd.f32 v5, v3  }
0x1e7: {  	v5 =	vld [tilespmem:s5+$0x16300]  }
0x1e8: {  	v3 =	vadd.f32 v6, v3  }
0x1e9: {  	s9 =	sor.u32 s7, s22;
	s22 =	smov.u32 s8;
	v6 =	vld [tilespmem:s5+$0x16380]  }
0x1ea: {  	s9 =	sor.u32 $0x380, s9;
	v3 =	vadd.f32 v4, v3  }
0x1eb: {  	v4 =	vld [tilespmem:s9+$0x16080]  }
0x1ec: {  	v3 =	vadd.f32 v5, v3  }
0x1ed: {  	v5 =	vld [tilespmem:s5+$0x17080]  }
0x1ee: {  	v3 =	vadd.f32 v6, v3  }
0x1ef: {  	v6 =	vld [tilespmem:s5+$0x17100]  }
0x1f0: {  	v3 =	vadd.f32 v4, v3  }
0x1f1: {  	v4 =	vld [tilespmem:s5+$0x17180]  }
0x1f2: {  	v3 =	vadd.f32 v5, v3  }
0x1f3: {  	v5 =	vld [tilespmem:s5+$0x17200]  }
0x1f4: {  	v3 =	vadd.f32 v6, v3  }
0x1f5: {  	v6 =	vld [tilespmem:s5+$0x17280]  }
0x1f6: {  	v3 =	vadd.f32 v4, v3  }
0x1f7: {  	v4 =	vld [tilespmem:s5+$0x17300]  }
0x1f8: {  	v3 =	vadd.f32 v5, v3  }
0x1f9: {  	v5 =	vld [tilespmem:s5+$0x17380]  }
0x1fa: {  	v3 =	vadd.f32 v6, v3  }
0x1fb: {  	v6 =	vld [tilespmem:s5+$0x17400]  }
0x1fc: {  	v3 =	vadd.f32 v4, v3;
	_ =	sdelay $0x1  }
0x1fd: {  	v3 =	vadd.f32 v5, v3;
	_ =	sdelay $0x1  }
.Ltmp4:
0x1fe: {  	v3 =	vadd.f32 v6, v3;
	(pc) =	sbr.rel @p0 .LBB2_11-.Ltmp4, $4  }
0x1ff: {  	_ = 	snop  }
0x200: {  	s7 =	sadd.s32 $0x80, s7;
	s5 =	sadd.s32 s4, s20;
	v3 =	vmul.f32 $6.250000000e-02, v3  }
0x201: {  	s4 =	sand.u32 $0xC00, s7;
	s9 =	sadd.s32 s21, s5;
	s21 =	sand.u32 $0x70, s8  }
0x202: {  	s8 =	sadd.s32 $0x10, s8;
	s5 =	sor.u32 s21, s4;
	[tilespmem:s9+$0x0] =	vst v3  }
0x203: {  	v3 =	vld [tilespmem:s5+$0x16100]  }
0x204: {  	v4 =	vld [tilespmem:s5+$0x16080];
	_ =	sdelay $0x1  }
0x205: {  	v5 =	vld [tilespmem:s5+$0x16180];
	_ =	sdelay $0x1  }
0x206: {  	v6 =	vld [tilespmem:s5+$0x16200]  }
0x207: {  	v3 =	vadd.f32 v3, v4  }
0x208: {  	v52 =	vld [tilespmem:s5+$0x16280]  }
0x209: {  	v3 =	vadd.f32 v5, v3  }
0x20a: {  	v53 =	vld [tilespmem:s5+$0x16300]  }
0x20b: {  	v3 =	vadd.f32 v6, v3  }
0x20c: {  	v54 =	vld [tilespmem:s5+$0x16380];
	s7 =	sor.u32 s7, s22  }
0x20d: {  	s7 =	sor.u32 $0x380, s7;
	v3 =	vadd.f32 v52, v3  }
0x20e: {  	v55 =	vld [tilespmem:s7+$0x16080]  }
0x20f: {  	v3 =	vadd.f32 v53, v3  }
0x210: {  	v56 =	vld [tilespmem:s5+$0x17080]  }
0x211: {  	v3 =	vadd.f32 v54, v3  }
0x212: {  	v57 =	vld [tilespmem:s5+$0x17100]  }
0x213: {  	v3 =	vadd.f32 v55, v3  }
0x214: {  	v58 =	vld [tilespmem:s5+$0x17180]  }
0x215: {  	v3 =	vadd.f32 v56, v3  }
0x216: {  	v59 =	vld [tilespmem:s5+$0x17200]  }
0x217: {  	v3 =	vadd.f32 v57, v3  }
0x218: {  	v60 =	vld [tilespmem:s5+$0x17280]  }
0x219: {  	v3 =	vadd.f32 v58, v3  }
0x21a: {  	v61 =	vld [tilespmem:s5+$0x17300]  }
0x21b: {  	v3 =	vadd.f32 v59, v3  }
0x21c: {  	v62 =	vld [tilespmem:s5+$0x17380]  }
0x21d: {  	v3 =	vadd.f32 v60, v3  }
0x21e: {  	v63 =	vld [tilespmem:s5+$0x17400]  }
0x21f: {  	v3 =	vadd.f32 v61, v3;
	_ =	sdelay $0x1  }
0x220: {  	s19 =	sadd.s32 $0x1, s19;
	v3 =	vadd.f32 v62, v3  }
0x221: {  	p0 =	sne.s32 s19, $0x40  }
.Ltmp5:
0x222: {  	v3 =	vadd.f32 v63, v3;
	(pc) =	sbr.rel @p0 .LBB2_8-.Ltmp5, $4  }
0x223: {  	_ = 	snop  }
0x224: {  	s4 =	sadd.s32 s4, s20;
	v3 =	vmul.f32 $6.250000000e-02, v3  }
0x225: {  	s4 =	sadd.s32 s21, s4  }
0x226: {  	[tilespmem:s4+$0x0] =	vst v3  }
0x227: {  	s18 =	simm.s32 $0x0;
	s4 =	rddreg [dreg:$0xa]  }
0x228: {  	[hbm4b:s4+s18] =	stream.linear.scatter [tilespmem:s12], [sflag:$0x4], $0x10000, $0x38;
	[tilespmem:$0x18080] =	vst v63  }
0x229: {  	_ =	swait.ge [sflag:s10], $0x10000  }
0x22a: {  	[sflag:s10] =	ssyncset.done $0x0  }
0x22b: {  	[sflag:s10] =	ssyncadd.s32 $0xFFFF0000  }
0x22c: {  	v3 =	vld [tilespmem:$0xA0];
	_ =	sdelay $0x4  }
0x22d: {  	v4 =	vshll.u32 v3, $0x2  }
0x22e: {  	v3 =	vand.u32 $0x7, v3;
	v4 =	vand.u32 $0xFFFFFFE0, v4  }
0x22f: {  	v3 =	vor.u32 v3, v4  }
0x230: {  	v4 =	vperm.xlane v3, v0;
	_ =	sdelay $0x1  }
0x231: {  	v4 =	vadd.s32 v1, v4;
	_ =	sdelay $0x1  }
0x232: {  	v3 =	vperm.xlane v3, v2;
	_ =	sdelay $0x1  }
0x233: {  	v3 =	vadd.s32 v1, v3  }
0x234: {  	[tilespmem:s30], [sflag:$0x2] =	stream.indirect_vreg.gather [hbm4b:s1+s18], $0x80, v4, vm0, $0xb8;
	[tilespmem:$0x18080] =	vst v63  }
0x235: {  	_ = 	snop  }
0x236: {  	[tilespmem:s31], [sflag:$0x2] =	stream.indirect_vreg.gather [hbm4b:s6+s18], $0x80, v4, vm0, $0xb8;
	[tilespmem:$0x18080] =	vst v63  }
0x237: {  	_ = 	snop  }
0x238: {  	[tilespmem:s0], [sflag:$0x2] =	stream.indirect_vreg.gather [hbm4b:s1+s18], $0x80, v3, vm0, $0xb8;
	[tilespmem:$0x18080] =	vst v63  }
0x239: {  	s19 =	simm.s32 $0x0  }
0x23a: {  	[tilespmem:s2], [sflag:$0x2] =	stream.indirect_vreg.gather [hbm4b:s6+s18], $0x80, v3, vm0, $0xb8;
	[tilespmem:$0x18080] =	vst v63  }
.LBB2_14:
0x23b: {  	s4 =	sshllo.u32 s19, $0x1  }
0x23c: {  	s20 =	sshll.u32 s4, $0x7  }
0x23d: {  	s4 =	sand.u32 $0x3FFFFF80, s20  }
0x23e: {  	v3 =	vld [tilespmem:s4+$0xA0];
	_ =	sdelay $0x4  }
0x23f: {  	v4 =	vshll.u32 v3, $0x2  }
0x240: {  	v3 =	vand.u32 $0x7, v3;
	v4 =	vand.u32 $0xFFFFFFE0, v4  }
0x241: {  	v3 =	vor.u32 v3, v4  }
0x242: {  	v4 =	vperm.xlane v3, v0;
	_ =	sdelay $0x1  }
0x243: {  	v4 =	vadd.s32 v1, v4;
	_ =	sdelay $0x1  }
0x244: {  	v3 =	vperm.xlane v3, v2;
	_ =	sdelay $0x1  }
0x245: {  	v3 =	vadd.s32 v1, v3  }
0x246: {  	[tilespmem:s11], [sflag:$0x3] =	stream.indirect_vreg.gather [hbm4b:s1+s18], $0x80, v4, vm0, $0xb8;
	[tilespmem:$0x18080] =	vst v63  }
0x247: {  	_ = 	snop  }
0x248: {  	[tilespmem:s13], [sflag:$0x3] =	stream.indirect_vreg.gather [hbm4b:s6+s18], $0x80, v4, vm0, $0xb8;
	[tilespmem:$0x18080] =	vst v63  }
0x249: {  	s22 =	sshll.u32 s19, $0xA;
	s26 =	sshll.u32 s19, $0x8;
	s25 =	sand.u32 $0x70, s18  }
0x24a: {  	[tilespmem:s14], [sflag:$0x3] =	stream.indirect_vreg.gather [hbm4b:s1+s18], $0x80, v3, vm0, $0xb8;
	[tilespmem:$0x18080] =	vst v63  }
0x24b: {  	s9 =	simm.s32 $0x10;
	s8 =	simm.s32 $0x0;
	s5 =	sand.u32 $0xF000, s22  }
0x24c: {  	[tilespmem:s15], [sflag:$0x3] =	stream.indirect_vreg.gather [hbm4b:s6+s18], $0x80, v3, vm0, $0xb8;
	[tilespmem:$0x18080] =	vst v63  }
0x24d: {  	s7 =	sand.u32 $0x300, s26;
	s21 =	sadd.s32 $0x4080, s5;
	_ =	swait.ge [sflag:s28], $0x2000  }
0x24e: {  	s4 =	sand.u32 $0xC00, s18;
	s26 =	sor.u32 s7, s21;
	[sflag:s28] =	ssyncset.done $0x0  }
0x24f: {  	s7 =	simm.s32 $0x0;
	s5 =	sor.u32 s25, s4;
	[sflag:s28] =	ssyncadd.s32 $0xFFFFE000  }
.LBB2_15:
0x250: {  	p0 =	sne.s32 s9, $0x1F0;
	v3 =	vld [tilespmem:s5+$0x14100]  }
0x251: {  	v4 =	vld [tilespmem:s5+$0x14080];
	_ =	sdelay $0x1  }
0x252: {  	v5 =	vld [tilespmem:s5+$0x14180];
	_ =	sdelay $0x1  }
0x253: {  	v6 =	vld [tilespmem:s5+$0x14200]  }
0x254: {  	v3 =	vadd.f32 v3, v4  }
0x255: {  	v4 =	vld [tilespmem:s5+$0x14280]  }
0x256: {  	v3 =	vadd.f32 v5, v3  }
0x257: {  	v5 =	vld [tilespmem:s5+$0x14300]  }
0x258: {  	v3 =	vadd.f32 v6, v3  }
0x259: {  	s23 =	sor.u32 s8, s7;
	s7 =	smov.u32 s9;
	v6 =	vld [tilespmem:s5+$0x14380]  }
0x25a: {  	s23 =	sor.u32 $0x380, s23;
	v3 =	vadd.f32 v4, v3  }
0x25b: {  	v4 =	vld [tilespmem:s23+$0x14080]  }
0x25c: {  	v3 =	vadd.f32 v5, v3  }
0x25d: {  	v5 =	vld [tilespmem:s5+$0x15080]  }
0x25e: {  	v3 =	vadd.f32 v6, v3  }
0x25f: {  	v6 =	vld [tilespmem:s5+$0x15100]  }
0x260: {  	v3 =	vadd.f32 v4, v3  }
0x261: {  	v4 =	vld [tilespmem:s5+$0x15180]  }
0x262: {  	v3 =	vadd.f32 v5, v3  }
0x263: {  	v5 =	vld [tilespmem:s5+$0x15200]  }
0x264: {  	v3 =	vadd.f32 v6, v3  }
0x265: {  	v6 =	vld [tilespmem:s5+$0x15280]  }
0x266: {  	v3 =	vadd.f32 v4, v3  }
0x267: {  	v4 =	vld [tilespmem:s5+$0x15300]  }
0x268: {  	v3 =	vadd.f32 v5, v3  }
0x269: {  	v5 =	vld [tilespmem:s5+$0x15380]  }
0x26a: {  	v3 =	vadd.f32 v6, v3  }
0x26b: {  	v6 =	vld [tilespmem:s5+$0x15400]  }
0x26c: {  	v3 =	vadd.f32 v4, v3;
	_ =	sdelay $0x1  }
0x26d: {  	v3 =	vadd.f32 v5, v3;
	_ =	sdelay $0x1  }
.Ltmp6:
0x26e: {  	v3 =	vadd.f32 v6, v3;
	(pc) =	sbr.rel @p0 .LBB2_15-.Ltmp6, $4  }
0x26f: {  	_ = 	snop  }
0x270: {  	s8 =	sadd.s32 $0x80, s8;
	s5 =	sadd.s32 s4, s26;
	v3 =	vmul.f32 $6.250000000e-02, v3  }
0x271: {  	s4 =	sand.u32 $0xC00, s8;
	s23 =	sadd.s32 s25, s5;
	s25 =	sand.u32 $0x70, s9  }
0x272: {  	s9 =	sadd.s32 $0x10, s9;
	s5 =	sor.u32 s25, s4;
	[tilespmem:s23+$0x0] =	vst v3  }
0x273: {  	v3 =	vld [tilespmem:s5+$0x14100]  }
0x274: {  	v4 =	vld [tilespmem:s5+$0x14080];
	_ =	sdelay $0x1  }
0x275: {  	v5 =	vld [tilespmem:s5+$0x14180];
	_ =	sdelay $0x1  }
0x276: {  	v6 =	vld [tilespmem:s5+$0x14200]  }
0x277: {  	v3 =	vadd.f32 v3, v4  }
0x278: {  	v52 =	vld [tilespmem:s5+$0x14280]  }
0x279: {  	v3 =	vadd.f32 v5, v3  }
0x27a: {  	v53 =	vld [tilespmem:s5+$0x14300]  }
0x27b: {  	v3 =	vadd.f32 v6, v3  }
0x27c: {  	v54 =	vld [tilespmem:s5+$0x14380];
	s7 =	sor.u32 s8, s7  }
0x27d: {  	s7 =	sor.u32 $0x380, s7;
	v3 =	vadd.f32 v52, v3  }
0x27e: {  	v55 =	vld [tilespmem:s7+$0x14080]  }
0x27f: {  	v3 =	vadd.f32 v53, v3  }
0x280: {  	v56 =	vld [tilespmem:s5+$0x15080]  }
0x281: {  	v3 =	vadd.f32 v54, v3  }
0x282: {  	v57 =	vld [tilespmem:s5+$0x15100]  }
0x283: {  	v3 =	vadd.f32 v55, v3  }
0x284: {  	v58 =	vld [tilespmem:s5+$0x15180]  }
0x285: {  	v3 =	vadd.f32 v56, v3  }
0x286: {  	v59 =	vld [tilespmem:s5+$0x15200]  }
0x287: {  	v3 =	vadd.f32 v57, v3  }
0x288: {  	v60 =	vld [tilespmem:s5+$0x15280]  }
0x289: {  	v3 =	vadd.f32 v58, v3  }
0x28a: {  	v61 =	vld [tilespmem:s5+$0x15300]  }
0x28b: {  	v3 =	vadd.f32 v59, v3  }
0x28c: {  	v62 =	vld [tilespmem:s5+$0x15380]  }
0x28d: {  	v3 =	vadd.f32 v60, v3  }
0x28e: {  	v63 =	vld [tilespmem:s5+$0x15400]  }
0x28f: {  	v3 =	vadd.f32 v61, v3;
	_ =	sdelay $0x1  }
0x290: {  	v3 =	vadd.f32 v62, v3;
	_ =	sdelay $0x1  }
0x291: {  	v3 =	vadd.f32 v63, v3;
	_ =	sdelay $0x1  }
0x292: {  	s4 =	sadd.s32 s4, s26;
	v3 =	vmul.f32 $6.250000000e-02, v3  }
0x293: {  	p0 =	seq.s32 s19, $0x3F;
	s4 =	sadd.s32 s25, s4  }
0x294: {  	[tilespmem:s4+$0x0] =	vst v3;
	s4 =	sshrl.u32 @!p0 s22, $0x2  }
0x295: {  	v3 =	vld @!p0 [tilespmem:s4+$0x1A0];
	_ =	sdelay $0x4  }
0x296: {  	v4 =	vshll.u32 @!p0 v3, $0x2  }
0x297: {  	v5 =	vlaneseq.u32 @!p0;
	v3 =	vand.u32 @!p0 $0x7, v3;
	v4 =	vand.u32 @!p0 $0xFFFFFFE0, v4  }
0x298: {  	v6 =	vshrl.u32 @!p0 v5, $0x3;
	v3 =	vor.u32 @!p0 v3, v4;
	v4 =	vand.u32 @!p0 $0x7, v5  }
0x299: {  	v6 =	vmul.u32 @!p0 $0x8, v6;
	v4 =	vperm.xlane @!p0 v3, v4;
	_ =	sdelay $0x1  }
0x29a: {  	v4 =	vadd.s32 @!p0 v6, v4  }
0x29b: {  	v5 =	vor.u32 @!p0 $0x8, v5  }
0x29c: {  	v3 =	vperm.xlane @!p0 v3, v5;
	_ =	sdelay $0x1  }
0x29d: {  	vm1 =	vmmov @!p0 $0xffff;
	s5 =	simm.s32 @!p0 $0x14080;
	s4 =	simm.s32 @!p0 $0x0;
	v3 =	vadd.s32 @!p0 v6, v3  }
0x29e: {  	[tilespmem:s5], [sflag:$0x2] =	stream.indirect_vreg.gather @!p0 [hbm4b:s1+s4], $0x80, v4, vm1, $0xb8;
	[tilespmem:$0x18080] =	vst v63  }
0x29f: {  	s5 =	simm.s32 @!p0 $0x14880  }
0x2a0: {  	[tilespmem:s5], [sflag:$0x2] =	stream.indirect_vreg.gather @!p0 [hbm4b:s6+s4], $0x80, v4, vm1, $0xb8;
	[tilespmem:$0x18080] =	vst v63  }
0x2a1: {  	s5 =	simm.s32 @!p0 $0x15080  }
0x2a2: {  	[tilespmem:s5], [sflag:$0x2] =	stream.indirect_vreg.gather @!p0 [hbm4b:s1+s4], $0x80, v3, vm1, $0xb8;
	[tilespmem:$0x18080] =	vst v63  }
0x2a3: {  	s26 =	sand.u32 $0x380, s20;
	s8 =	simm.s32 $0x10;
	s5 =	simm.s32 @!p0 $0x15880  }
0x2a4: {  	[tilespmem:s5], [sflag:$0x2] =	stream.indirect_vreg.gather @!p0 [hbm4b:s6+s4], $0x80, v3, vm1, $0xb8;
	[tilespmem:$0x18080] =	vst v63  }
0x2a5: {  	s20 =	sadd.s32 s26, s21;
	s22 =	simm.s32 $0x0;
	_ =	swait.ge [sflag:s16], $0x2000  }
0x2a6: {  	s21 =	sand.u32 $0x70, s22;
	s4 =	sand.u32 $0xC00, s22;
	[sflag:s16] =	ssyncset.done $0x0  }
0x2a7: {  	s7 =	simm.s32 $0x0;
	s5 =	sor.u32 s21, s4;
	[sflag:s16] =	ssyncadd.s32 $0xFFFFE000  }
.LBB2_17:
0x2a8: {  	p0 =	sne.s32 s8, $0x1F0;
	v3 =	vld [tilespmem:s5+$0x16100]  }
0x2a9: {  	v4 =	vld [tilespmem:s5+$0x16080];
	_ =	sdelay $0x1  }
0x2aa: {  	v5 =	vld [tilespmem:s5+$0x16180];
	_ =	sdelay $0x1  }
0x2ab: {  	v6 =	vld [tilespmem:s5+$0x16200]  }
0x2ac: {  	v3 =	vadd.f32 v3, v4  }
0x2ad: {  	v4 =	vld [tilespmem:s5+$0x16280]  }
0x2ae: {  	v3 =	vadd.f32 v5, v3  }
0x2af: {  	v5 =	vld [tilespmem:s5+$0x16300]  }
0x2b0: {  	v3 =	vadd.f32 v6, v3  }
0x2b1: {  	s9 =	sor.u32 s7, s22;
	s22 =	smov.u32 s8;
	v6 =	vld [tilespmem:s5+$0x16380]  }
0x2b2: {  	s9 =	sor.u32 $0x380, s9;
	v3 =	vadd.f32 v4, v3  }
0x2b3: {  	v4 =	vld [tilespmem:s9+$0x16080]  }
0x2b4: {  	v3 =	vadd.f32 v5, v3  }
0x2b5: {  	v5 =	vld [tilespmem:s5+$0x17080]  }
0x2b6: {  	v3 =	vadd.f32 v6, v3  }
0x2b7: {  	v6 =	vld [tilespmem:s5+$0x17100]  }
0x2b8: {  	v3 =	vadd.f32 v4, v3  }
0x2b9: {  	v4 =	vld [tilespmem:s5+$0x17180]  }
0x2ba: {  	v3 =	vadd.f32 v5, v3  }
0x2bb: {  	v5 =	vld [tilespmem:s5+$0x17200]  }
0x2bc: {  	v3 =	vadd.f32 v6, v3  }
0x2bd: {  	v6 =	vld [tilespmem:s5+$0x17280]  }
0x2be: {  	v3 =	vadd.f32 v4, v3  }
0x2bf: {  	v4 =	vld [tilespmem:s5+$0x17300]  }
0x2c0: {  	v3 =	vadd.f32 v5, v3  }
0x2c1: {  	v5 =	vld [tilespmem:s5+$0x17380]  }
0x2c2: {  	v3 =	vadd.f32 v6, v3  }
0x2c3: {  	v6 =	vld [tilespmem:s5+$0x17400]  }
0x2c4: {  	v3 =	vadd.f32 v4, v3;
	_ =	sdelay $0x1  }
0x2c5: {  	v3 =	vadd.f32 v5, v3;
	_ =	sdelay $0x1  }
.Ltmp7:
0x2c6: {  	v3 =	vadd.f32 v6, v3;
	(pc) =	sbr.rel @p0 .LBB2_17-.Ltmp7, $4  }
0x2c7: {  	_ = 	snop  }
0x2c8: {  	s7 =	sadd.s32 $0x80, s7;
	s5 =	sadd.s32 s4, s20;
	v3 =	vmul.f32 $6.250000000e-02, v3  }
0x2c9: {  	s4 =	sand.u32 $0xC00, s7;
	s9 =	sadd.s32 s21, s5;
	s21 =	sand.u32 $0x70, s8  }
0x2ca: {  	s8 =	sadd.s32 $0x10, s8;
	s5 =	sor.u32 s21, s4;
	[tilespmem:s9+$0x0] =	vst v3  }
0x2cb: {  	v3 =	vld [tilespmem:s5+$0x16100]  }
0x2cc: {  	v4 =	vld [tilespmem:s5+$0x16080];
	_ =	sdelay $0x1  }
0x2cd: {  	v5 =	vld [tilespmem:s5+$0x16180];
	_ =	sdelay $0x1  }
0x2ce: {  	v6 =	vld [tilespmem:s5+$0x16200]  }
0x2cf: {  	v3 =	vadd.f32 v3, v4  }
0x2d0: {  	v52 =	vld [tilespmem:s5+$0x16280]  }
0x2d1: {  	v3 =	vadd.f32 v5, v3  }
0x2d2: {  	v53 =	vld [tilespmem:s5+$0x16300]  }
0x2d3: {  	v3 =	vadd.f32 v6, v3  }
0x2d4: {  	v54 =	vld [tilespmem:s5+$0x16380];
	s7 =	sor.u32 s7, s22  }
0x2d5: {  	s7 =	sor.u32 $0x380, s7;
	v3 =	vadd.f32 v52, v3  }
0x2d6: {  	v55 =	vld [tilespmem:s7+$0x16080]  }
0x2d7: {  	v3 =	vadd.f32 v53, v3  }
0x2d8: {  	v56 =	vld [tilespmem:s5+$0x17080]  }
0x2d9: {  	v3 =	vadd.f32 v54, v3  }
0x2da: {  	v57 =	vld [tilespmem:s5+$0x17100]  }
0x2db: {  	v3 =	vadd.f32 v55, v3  }
0x2dc: {  	v58 =	vld [tilespmem:s5+$0x17180]  }
0x2dd: {  	v3 =	vadd.f32 v56, v3  }
0x2de: {  	v59 =	vld [tilespmem:s5+$0x17200]  }
0x2df: {  	v3 =	vadd.f32 v57, v3  }
0x2e0: {  	v60 =	vld [tilespmem:s5+$0x17280]  }
0x2e1: {  	v3 =	vadd.f32 v58, v3  }
0x2e2: {  	v61 =	vld [tilespmem:s5+$0x17300]  }
0x2e3: {  	v3 =	vadd.f32 v59, v3  }
0x2e4: {  	v62 =	vld [tilespmem:s5+$0x17380]  }
0x2e5: {  	v3 =	vadd.f32 v60, v3  }
0x2e6: {  	v63 =	vld [tilespmem:s5+$0x17400]  }
0x2e7: {  	v3 =	vadd.f32 v61, v3;
	_ =	sdelay $0x1  }
0x2e8: {  	s19 =	sadd.s32 $0x1, s19;
	v3 =	vadd.f32 v62, v3  }
0x2e9: {  	p0 =	sne.s32 s19, $0x40  }
.Ltmp8:
0x2ea: {  	v3 =	vadd.f32 v63, v3;
	(pc) =	sbr.rel @p0 .LBB2_14-.Ltmp8, $4  }
0x2eb: {  	_ = 	snop  }
0x2ec: {  	s4 =	sadd.s32 s4, s20;
	v3 =	vmul.f32 $6.250000000e-02, v3  }
0x2ed: {  	s4 =	sadd.s32 s21, s4  }
0x2ee: {  	[tilespmem:s4+$0x0] =	vst v3  }
0x2ef: {  	[hbm4b:s24+s3] =	stream.linear.scatter [tilespmem:s12], [sflag:$0x4], $0x10000, $0x38;
	[tilespmem:$0x18080] =	vst v63  }
0x2f0: {  	_ =	swait.ge [sflag:s10], $0x10000  }
0x2f1: {  	s17 =	sadd.s32 $0x1, s17;
	s4 =	rddreg [dreg:$0x9]  }
0x2f2: {  	p0 =	sne.s32 s17, s4  }
.Ltmp9:
0x2f3: {  	_ = 	snop;
	(pc) =	sbr.rel @p0 .LBB2_1-.Ltmp9, $3  }
0x2f4: {  	_ =	sdelay $0x1  }
0x2f5: {  	[sflag:s10] =	ssyncset.done $0x0  }
0x2f6: {  	[sflag:s10] =	ssyncadd.s32 $0xFFFF0000  }
0x2f7: {  	_ =	sfence.sel $0x180000  }
0x2f8: {  	[bflag:$0x0] =	sbarrier.arrive $0xFFFF  }
0x2f9: {  	_ =	strace $0x90000047  }
0x2fa: {  	s0 =	stileid.u32;
	[bflag:$0x2] =	sbarrier.arrive $0xFFFF  }
0x2fb: {  	p0 =	sne.s32 s0, $0x0;
	s0 =	rddreg [dreg:$0x4]  }
0x2fc: {  	s0 =	sadd.s32 @!p0 $0x100000, s0  }
0x2fd: {  	[sflag:s0] =	ssyncadd.tile.s32 @!p0 $0x1;
	_ =	shalt  }
.Lfunc_end2:
_tile_overlayer_lowered:
.L_overlay_start_2:
0x2fe: {  	(tag) =	ssettag $0x2  }
0x2ff: {  	s0 =	rddreg [dreg:$0x0];
	s2 =	stileid.u32  }
0x300: {  	s1 =	rddreg [dreg:$0x1];
	p0 =	sne.s32 s2, $0x0  }
0x301: {  	s3 =	rddreg [dreg:$0x2];
	[bflag:$0x3] =	sbarrier.arrive $0xFFFF;
	s2 =	simm.s32 @!p0 $0x1C04  }
0x302: {  	[timem:s3], [sflag:s2] =	dma.local @!p0 [hbm:s0], s1  }
0x303: {  	s0 =	simm.s32 @!p0 $0x4  }
0x304: {  	_ =	swait.ge @!p0 [sflag:s0], s1  }
0x305: {  	s1 =	ssub.s32 @!p0 $0x0, s1;
	[sflag:s0] =	ssyncset.done @!p0 $0x0  }
0x306: {  	[sflag:s0] =	ssyncadd.s32 @!p0 s1  }
0x307: {  	[bflag:$0x3] =	sbarrier.arrive $0xFFFF  }
0x308: {  	_ =	shalt  }

</sc_bundles>
